<compile_context>
chip_gen: v7x
topology: tpu7x:2x2x1
jax: 0.10.2.dev20260603
libtpu: 0.0.44.dev20260713+nightly
codegen_flags: <defaults>
</compile_context>

<pallas_src>
import functools

import jax
import jax.numpy as jnp
from jax import lax
from jax.experimental import pallas as pl
from jax.experimental.pallas import tpu as pltpu
from jax.experimental.pallas import tpu_sc as plsc

GAMMA = 12.0

NC = 2
NS = 16
L = 16
NW = NC * NS

B = 4096
NEG = 128
D = 64
BPW = B // NW


def _sc_body(hidx_hbm, ridx_hbm, tp_hbm, ent_hbm, rel_hbm, out_hbm,
             hidx_v, ridx_v, h_rows, r_rows, hr_v, tidx_v,
             tbuf0, tbuf1, p_v, out_v, sem, gsem0, gsem1):
    cid = lax.axis_index("c")
    sid = lax.axis_index("s")
    wid = sid * NC + cid
    base = wid * BPW

    pltpu.sync_copy(hidx_hbm.at[pl.ds(base, BPW)], hidx_v)
    pltpu.sync_copy(ridx_hbm.at[pl.ds(base, BPW)], ridx_v)
    pltpu.sync_copy(tp_hbm.at[pl.ds(base, BPW)], tidx_v)

    iota = lax.iota(jnp.int32, L)
    zero = iota * 0

    pltpu.async_copy(ent_hbm.at[hidx_v], h_rows, sem).wait()
    pltpu.async_copy(rel_hbm.at[ridx_v], r_rows, sem).wait()

    def addrow(b, carry):
        for c in range(D // L):
            sl = pl.ds(c * L, L)
            hr_v[pl.ds(b * D + c * L, L)] = h_rows[b, sl] + r_rows[b, sl]
        return carry
    lax.fori_loop(0, BPW, addrow, 0)

    zerof = jnp.zeros((L,), jnp.float32)

    def compute_row(b, tbuf):
        hrc = [hr_v[pl.ds(b * D + c * L, L)] for c in range(D // L)]

        @plsc.parallel_loop(0, NEG, unroll=4)
        def _p1(n):
            p = jnp.abs(tbuf[n, pl.ds(0, L)] - hrc[0])
            for c in range(1, D // L):
                p = p + jnp.abs(tbuf[n, pl.ds(c * L, L)] - hrc[c])
            p_v[pl.ds(n * L, L)] = p

        @plsc.parallel_loop(0, NEG // L, unroll=2)
        def _p2(j):
            pos = (j * L + iota) * L
            t = plsc.load_gather(p_v, [pos])
            for l in range(1, L):
                t = t + plsc.load_gather(p_v, [pos + l])
            out_v[b, pl.ds(j * L, L)] = GAMMA - t

    pltpu.async_copy(ent_hbm.at[tidx_v.at[0]], tbuf0, gsem0)

    def row_pair(b, carry):
        pltpu.async_copy(ent_hbm.at[tidx_v.at[b + 1]], tbuf1, gsem1)
        pltpu.make_async_copy(ent_hbm.at[tidx_v.at[0]], tbuf0, gsem0).wait()
        compute_row(b, tbuf0)
        pltpu.async_copy(ent_hbm.at[tidx_v.at[b + 2]], tbuf0, gsem0)
        pltpu.make_async_copy(ent_hbm.at[tidx_v.at[0]], tbuf1, gsem1).wait()
        compute_row(b + 1, tbuf1)
        return carry
    lax.fori_loop(0, (BPW - 2) // 2, lambda i, c: row_pair(2 * i, c), 0)

    pltpu.async_copy(ent_hbm.at[tidx_v.at[BPW - 1]], tbuf1, gsem1)
    pltpu.make_async_copy(ent_hbm.at[tidx_v.at[0]], tbuf0, gsem0).wait()
    compute_row(BPW - 2, tbuf0)
    pltpu.make_async_copy(ent_hbm.at[tidx_v.at[0]], tbuf1, gsem1).wait()
    compute_row(BPW - 1, tbuf1)

    pltpu.sync_copy(out_v, out_hbm.at[pl.ds(base, BPW)])


@jax.jit
def _run(hidx, ridx, tp, ent, rel):
    return pl.kernel(
        _sc_body,
        out_type=jax.ShapeDtypeStruct((B, NEG), jnp.float32),
        mesh=plsc.VectorSubcoreMesh(
            core_axis_name="c", subcore_axis_name="s",
            num_cores=NC, num_subcores=NS),
        compiler_params=pltpu.CompilerParams(
            needs_layout_passes=False, use_tc_tiling_on_sc=False),
        scratch_types=[
            pltpu.VMEM((BPW,), jnp.int32),
            pltpu.VMEM((BPW,), jnp.int32),
            pltpu.VMEM((BPW, D), jnp.float32),
            pltpu.VMEM((BPW, D), jnp.float32),
            pltpu.VMEM((BPW * D,), jnp.float32),
            pltpu.VMEM((BPW, NEG), jnp.int32),
            pltpu.VMEM((NEG, D), jnp.float32),
            pltpu.VMEM((NEG, D), jnp.float32),
            pltpu.VMEM((NEG * L,), jnp.float32),
            pltpu.VMEM((BPW, NEG), jnp.float32),
            pltpu.SemaphoreType.DMA,
            pltpu.SemaphoreType.DMA,
            pltpu.SemaphoreType.DMA,
        ],
    )(hidx, ridx, tp, ent, rel)


def kernel(head_part, tail_part, entity_embedding, relation_embedding):
    hp = head_part.astype(jnp.int32)
    return _run(hp[:, 0], hp[:, 1], tail_part.astype(jnp.int32),
                entity_embedding, relation_embedding)

# --- scband reference (transcript-rebuilt; emitter-appended) ---
"""Pipeline reference for scband-kgemodel-12120397709402 (READ-ONLY COPY).

The authoritative reference and input builder live on the scoring server;
editing this copy changes nothing except your own understanding.
"""

import jax, jax.numpy as jnp
import numpy as np

NENTITY = 1000000
NRELATION = 1000
HIDDEN_DIM = 64
GAMMA = 12.0
EPSILON = 2.0
EMB_RANGE = (GAMMA + EPSILON) / HIDDEN_DIM
BATCH = 4096
NEG = 128

def setup_inputs(seed: int = 0) -> dict:
    key = jax.random.key(seed)
    k1, k2, k3, k4 = jax.random.split(key, 4)
    entity_embedding = jax.random.uniform(k1, (NENTITY, HIDDEN_DIM), dtype=jnp.float32, minval=-EMB_RANGE, maxval=EMB_RANGE)
    relation_embedding = jax.random.uniform(k2, (NRELATION, HIDDEN_DIM), dtype=jnp.float32, minval=-EMB_RANGE, maxval=EMB_RANGE)
    head_part = jax.random.randint(k3, (BATCH, 3), 0, NRELATION, dtype=jnp.int64 if jax.config.jax_enable_x64 else jnp.int32)
    tail_part = jax.random.randint(k4, (BATCH, NEG), 0, NENTITY, dtype=jnp.int64 if jax.config.jax_enable_x64 else jnp.int32)
    return {"head_part": head_part, "tail_part": tail_part, "entity_embedding": entity_embedding, "relation_embedding": relation_embedding}

def reference(head_part, tail_part, entity_embedding, relation_embedding):
    # KGEModel.forward with mode='tail-batch', model_name='TransE'
    # sample = (head_part, tail_part)
    batch_size, negative_sample_size = tail_part.shape
    head = jnp.take(entity_embedding, head_part[:, 0], axis=0)[:, None, :]           # [B, 1, d]
    relation = jnp.take(relation_embedding, head_part[:, 1], axis=0)[:, None, :]     # [B, 1, d]
    tail = jnp.take(entity_embedding, tail_part.reshape(-1), axis=0).reshape(batch_size, negative_sample_size, -1)  # [B, neg, d]
    # TransE (tail-batch): score = gamma - ||head + relation - tail||_1
    score = GAMMA - jnp.sum(jnp.abs(head + relation - tail), axis=2)                 # [B, neg]
    return score

if __name__ == "__main__":
    import jax
    _d = setup_inputs()
    print(jax.jit(kernel)(*tuple(_d.values())))

</pallas_src>

<mosaic_0001>
#map = affine_map<(d0, d1) -> (0)>
#map1 = affine_map<(d0, d1) -> (0, 0)>
module attributes {stable_mosaic.version = 14 : i64} {
  func.func @_sc_body(%arg0: i32, %arg1: i32, %arg2: memref<4096xi32, #tpu.memory_space<hbm>>, %arg3: memref<4096xi32, #tpu.memory_space<hbm>>, %arg4: memref<4096x128xi32, #tpu.memory_space<hbm>>, %arg5: memref<1000000x64xf32, #tpu.memory_space<hbm>>, %arg6: memref<1000x64xf32, #tpu.memory_space<hbm>>, %arg7: memref<4096x128xf32, #tpu.memory_space<hbm>>, %arg8: memref<128xi32, #tpu.memory_space<vmem>>, %arg9: memref<128xi32, #tpu.memory_space<vmem>>, %arg10: memref<128x64xf32, #tpu.memory_space<vmem>>, %arg11: memref<128x64xf32, #tpu.memory_space<vmem>>, %arg12: memref<8192xf32, #tpu.memory_space<vmem>>, %arg13: memref<128x128xi32, #tpu.memory_space<vmem>>, %arg14: memref<128x64xf32, #tpu.memory_space<vmem>>, %arg15: memref<128x64xf32, #tpu.memory_space<vmem>>, %arg16: memref<2048xf32, #tpu.memory_space<vmem>>, %arg17: memref<128x128xf32, #tpu.memory_space<vmem>>, %arg18: memref<!tpu.dma_semaphore, #tpu.memory_space<semaphore_mem>>, %arg19: memref<!tpu.dma_semaphore, #tpu.memory_space<semaphore_mem>>, %arg20: memref<!tpu.dma_semaphore, #tpu.memory_space<semaphore_mem>>) attributes {dimension_semantics = [#tpu.dimension_semantics<core_parallel>, #tpu.dimension_semantics<subcore_parallel>], iteration_bounds = array<i64: 2, 16>, scalar_prefetch = 0 : i64, scratch_operands = 13 : i64, tpu.core_type = #tpu.core_type<sc_vector_subcore>, window_params = [{transform_indices = #map}, {transform_indices = #map}, {transform_indices = #map1}, {transform_indices = #map1}, {transform_indices = #map1}, {transform_indices = #map1}]} {
    %mul3A = arith.constant 2 : i32
    %mul3A_0 = arith.muli %arg1, %mul3A : i32
    %add3A = arith.addi %mul3A_0, %arg0 : i32
    %mul3A_1 = arith.constant 128 : i32
    %mul3A_2 = arith.muli %add3A, %mul3A_1 : i32
    "tpu.region"() ({
      %run_scoped3A = tpu.sem_alloc : memref<!tpu.dma_semaphore, #tpu.memory_space<semaphore_mem>>
      %dma_start3A_82 = tpu.memref_slice %arg2[%mul3A_2] : memref<4096xi32, #tpu.memory_space<hbm>> -> memref<128xi32, #tpu.memory_space<hbm>>
      %dma_start3A_83 = tpu.memref_slice %arg2[%mul3A_2] : memref<4096xi32, #tpu.memory_space<hbm>> -> memref<128xi32, #tpu.memory_space<hbm>>
      tpu.enqueue_dma source(%dma_start3A_83 : memref<128xi32, #tpu.memory_space<hbm>>) target(%arg8 : memref<128xi32, #tpu.memory_space<vmem>>) target_semaphore(%run_scoped3A : memref<!tpu.dma_semaphore, #tpu.memory_space<semaphore_mem>>)
      %dma_wait3A_84 = tpu.memref_slice %arg2[%mul3A_2] : memref<4096xi32, #tpu.memory_space<hbm>> -> memref<128xi32, #tpu.memory_space<hbm>>
      %dma_wait3A_85 = tpu.memref_slice %arg2[%mul3A_2] : memref<4096xi32, #tpu.memory_space<hbm>> -> memref<128xi32, #tpu.memory_space<hbm>>
      tpu.wait_dma2 semaphore(%run_scoped3A : memref<!tpu.dma_semaphore, #tpu.memory_space<semaphore_mem>>) src(%dma_wait3A_85 : memref<128xi32, #tpu.memory_space<hbm>>) dst(%arg8 : memref<128xi32, #tpu.memory_space<vmem>>)
      tpu.yield
    }) : () -> ()
    "tpu.region"() ({
      %run_scoped3A = tpu.sem_alloc : memref<!tpu.dma_semaphore, #tpu.memory_space<semaphore_mem>>
      %dma_start3A_82 = tpu.memref_slice %arg3[%mul3A_2] : memref<4096xi32, #tpu.memory_space<hbm>> -> memref<128xi32, #tpu.memory_space<hbm>>
      %dma_start3A_83 = tpu.memref_slice %arg3[%mul3A_2] : memref<4096xi32, #tpu.memory_space<hbm>> -> memref<128xi32, #tpu.memory_space<hbm>>
      tpu.enqueue_dma source(%dma_start3A_83 : memref<128xi32, #tpu.memory_space<hbm>>) target(%arg9 : memref<128xi32, #tpu.memory_space<vmem>>) target_semaphore(%run_scoped3A : memref<!tpu.dma_semaphore, #tpu.memory_space<semaphore_mem>>)
      %dma_wait3A_84 = tpu.memref_slice %arg3[%mul3A_2] : memref<4096xi32, #tpu.memory_space<hbm>> -> memref<128xi32, #tpu.memory_space<hbm>>
      %dma_wait3A_85 = tpu.memref_slice %arg3[%mul3A_2] : memref<4096xi32, #tpu.memory_space<hbm>> -> memref<128xi32, #tpu.memory_space<hbm>>
      tpu.wait_dma2 semaphore(%run_scoped3A : memref<!tpu.dma_semaphore, #tpu.memory_space<semaphore_mem>>) src(%dma_wait3A_85 : memref<128xi32, #tpu.memory_space<hbm>>) dst(%arg9 : memref<128xi32, #tpu.memory_space<vmem>>)
      tpu.yield
    }) : () -> ()
    "tpu.region"() ({
      %run_scoped3A = tpu.sem_alloc : memref<!tpu.dma_semaphore, #tpu.memory_space<semaphore_mem>>
      %dma_start3A_82 = arith.constant 0 : i32
      %dma_start3A_83 = tpu.memref_slice %arg4[%mul3A_2, %dma_start3A_82] : memref<4096x128xi32, #tpu.memory_space<hbm>> -> memref<128x128xi32, #tpu.memory_space<hbm>>
      %dma_start3A_84 = arith.constant 0 : i32
      %dma_start3A_85 = tpu.memref_slice %arg4[%mul3A_2, %dma_start3A_84] : memref<4096x128xi32, #tpu.memory_space<hbm>> -> memref<128x128xi32, #tpu.memory_space<hbm>>
      tpu.enqueue_dma source(%dma_start3A_85 : memref<128x128xi32, #tpu.memory_space<hbm>>) target(%arg13 : memref<128x128xi32, #tpu.memory_space<vmem>>) target_semaphore(%run_scoped3A : memref<!tpu.dma_semaphore, #tpu.memory_space<semaphore_mem>>)
      %dma_wait3A_86 = arith.constant 0 : i32
      %dma_wait3A_87 = tpu.memref_slice %arg4[%mul3A_2, %dma_wait3A_86] : memref<4096x128xi32, #tpu.memory_space<hbm>> -> memref<128x128xi32, #tpu.memory_space<hbm>>
      %dma_wait3A_88 = arith.constant 0 : i32
      %dma_wait3A_89 = tpu.memref_slice %arg4[%mul3A_2, %dma_wait3A_88] : memref<4096x128xi32, #tpu.memory_space<hbm>> -> memref<128x128xi32, #tpu.memory_space<hbm>>
      tpu.wait_dma2 semaphore(%run_scoped3A : memref<!tpu.dma_semaphore, #tpu.memory_space<semaphore_mem>>) src(%dma_wait3A_89 : memref<128x128xi32, #tpu.memory_space<hbm>>) dst(%arg13 : memref<128x128xi32, #tpu.memory_space<vmem>>)
      tpu.yield
    }) : () -> ()
    %iota3A = tpu.iota {dimensions = array<i32: 0>} : vector<16xi32>
    %mul3A_3 = arith.constant 0 : i32
    %mul3A_4 = vector.broadcast %mul3A_3 : i32 to vector<16xi32>
    %mul3A_5 = arith.muli %iota3A, %mul3A_4 : vector<16xi32>
    %dma_start3A = arith.constant 0 : i32
    %dma_start3A_6 = arith.constant 0 : i32
    %dma_start3A_7 = tpu.memref_slice %arg5[%dma_start3A, %dma_start3A_6] : memref<1000000x64xf32, #tpu.memory_space<hbm>> -> memref<1000000x64xf32, #tpu.memory_space<hbm>>
    tpu.enqueue_indirect_dma source(%dma_start3A_7 : memref<1000000x64xf32, #tpu.memory_space<hbm>>) target(%arg10 : memref<128x64xf32, #tpu.memory_space<vmem>>) offsets(%arg8 : memref<128xi32, #tpu.memory_space<vmem>>) semaphore(%arg18 : memref<!tpu.dma_semaphore, #tpu.memory_space<semaphore_mem>>)
    %dma_wait3A = arith.constant 0 : i32
    %dma_wait3A_8 = arith.constant 0 : i32
    %dma_wait3A_9 = tpu.memref_slice %arg5[%dma_wait3A, %dma_wait3A_8] : memref<1000000x64xf32, #tpu.memory_space<hbm>> -> memref<1000000x64xf32, #tpu.memory_space<hbm>>
    tpu.wait_indirect_dma semaphore(%arg18 : memref<!tpu.dma_semaphore, #tpu.memory_space<semaphore_mem>>) src(%dma_wait3A_9 : memref<1000000x64xf32, #tpu.memory_space<hbm>>) dst(%arg10 : memref<128x64xf32, #tpu.memory_space<vmem>>)
    %dma_start3A_10 = arith.constant 0 : i32
    %dma_start3A_11 = arith.constant 0 : i32
    %dma_start3A_12 = tpu.memref_slice %arg6[%dma_start3A_10, %dma_start3A_11] : memref<1000x64xf32, #tpu.memory_space<hbm>> -> memref<1000x64xf32, #tpu.memory_space<hbm>>
    tpu.enqueue_indirect_dma source(%dma_start3A_12 : memref<1000x64xf32, #tpu.memory_space<hbm>>) target(%arg11 : memref<128x64xf32, #tpu.memory_space<vmem>>) offsets(%arg9 : memref<128xi32, #tpu.memory_space<vmem>>) semaphore(%arg18 : memref<!tpu.dma_semaphore, #tpu.memory_space<semaphore_mem>>)
    %dma_wait3A_13 = arith.constant 0 : i32
    %dma_wait3A_14 = arith.constant 0 : i32
    %dma_wait3A_15 = tpu.memref_slice %arg6[%dma_wait3A_13, %dma_wait3A_14] : memref<1000x64xf32, #tpu.memory_space<hbm>> -> memref<1000x64xf32, #tpu.memory_space<hbm>>
    tpu.wait_indirect_dma semaphore(%arg18 : memref<!tpu.dma_semaphore, #tpu.memory_space<semaphore_mem>>) src(%dma_wait3A_15 : memref<1000x64xf32, #tpu.memory_space<hbm>>) dst(%arg11 : memref<128x64xf32, #tpu.memory_space<vmem>>)
    %scan3A = arith.constant 0 : i32
    %scan3A_16 = arith.constant 0 : i32
    %scan3A_17 = arith.constant 128 : i32
    %scan3A_18 = arith.addi %scan3A_16, %scan3A_17 : i32
    %scan3A_19 = arith.constant 1 : i32
    scf.for %scan3A_82 = %scan3A_16 to %scan3A_18 step %scan3A_19  : i32 {
      %get3A_83 = arith.index_cast %scan3A_82 : i32 to index
      %get3A_84 = arith.constant 0 : index
      %get3A_85 = tpu.vector_load %arg10[%get3A_83, %get3A_84] {strides = array<i32>} : memref<128x64xf32, #tpu.memory_space<vmem>>, vector<16xf32>,
      %get3A_86 = arith.index_cast %scan3A_82 : i32 to index
      %get3A_87 = arith.constant 0 : index
      %get3A_88 = tpu.vector_load %arg11[%get3A_86, %get3A_87] {strides = array<i32>} : memref<128x64xf32, #tpu.memory_space<vmem>>, vector<16xf32>,
      %add3A_89 = arith.addf %get3A_85, %get3A_88 : vector<16xf32>
      %mul3A_90 = arith.constant 64 : i32
      %mul3A_91 = arith.muli %scan3A_82, %mul3A_90 : i32
      %add3A_92 = arith.constant 0 : i32
      %add3A_93 = arith.addi %mul3A_91, %add3A_92 : i32
      %swap3A = arith.index_cast %add3A_93 : i32 to index
      %swap3A_94 = tpu.vector_load %arg12[%swap3A] {strides = array<i32>} : memref<8192xf32, #tpu.memory_space<vmem>>, vector<16xf32>,
      tpu.vector_store %arg12[%swap3A], %add3A_89 {strides = array<i32>} : memref<8192xf32, #tpu.memory_space<vmem>>, vector<16xf32>,
      %get3A_95 = arith.index_cast %scan3A_82 : i32 to index
      %get3A_96 = arith.constant 16 : index
      %get3A_97 = tpu.vector_load %arg10[%get3A_95, %get3A_96] {strides = array<i32>} : memref<128x64xf32, #tpu.memory_space<vmem>>, vector<16xf32>,
      %get3A_98 = arith.index_cast %scan3A_82 : i32 to index
      %get3A_99 = arith.constant 16 : index
      %get3A_100 = tpu.vector_load %arg11[%get3A_98, %get3A_99] {strides = array<i32>} : memref<128x64xf32, #tpu.memory_space<vmem>>, vector<16xf32>,
      %add3A_101 = arith.addf %get3A_97, %get3A_100 : vector<16xf32>
      %mul3A_102 = arith.constant 64 : i32
      %mul3A_103 = arith.muli %scan3A_82, %mul3A_102 : i32
      %add3A_104 = arith.constant 16 : i32
      %add3A_105 = arith.addi %mul3A_103, %add3A_104 : i32
      %swap3A_106 = arith.index_cast %add3A_105 : i32 to index
      %swap3A_107 = tpu.vector_load %arg12[%swap3A_106] {strides = array<i32>} : memref<8192xf32, #tpu.memory_space<vmem>>, vector<16xf32>,
      tpu.vector_store %arg12[%swap3A_106], %add3A_101 {strides = array<i32>} : memref<8192xf32, #tpu.memory_space<vmem>>, vector<16xf32>,
      %get3A_108 = arith.index_cast %scan3A_82 : i32 to index
      %get3A_109 = arith.constant 32 : index
      %get3A_110 = tpu.vector_load %arg10[%get3A_108, %get3A_109] {strides = array<i32>} : memref<128x64xf32, #tpu.memory_space<vmem>>, vector<16xf32>,
      %get3A_111 = arith.index_cast %scan3A_82 : i32 to index
      %get3A_112 = arith.constant 32 : index
      %get3A_113 = tpu.vector_load %arg11[%get3A_111, %get3A_112] {strides = array<i32>} : memref<128x64xf32, #tpu.memory_space<vmem>>, vector<16xf32>,
      %add3A_114 = arith.addf %get3A_110, %get3A_113 : vector<16xf32>
      %mul3A_115 = arith.constant 64 : i32
      %mul3A_116 = arith.muli %scan3A_82, %mul3A_115 : i32
      %add3A_117 = arith.constant 32 : i32
      %add3A_118 = arith.addi %mul3A_116, %add3A_117 : i32
      %swap3A_119 = arith.index_cast %add3A_118 : i32 to index
      %swap3A_120 = tpu.vector_load %arg12[%swap3A_119] {strides = array<i32>} : memref<8192xf32, #tpu.memory_space<vmem>>, vector<16xf32>,
      tpu.vector_store %arg12[%swap3A_119], %add3A_114 {strides = array<i32>} : memref<8192xf32, #tpu.memory_space<vmem>>, vector<16xf32>,
      %get3A_121 = arith.index_cast %scan3A_82 : i32 to index
      %get3A_122 = arith.constant 48 : index
      %get3A_123 = tpu.vector_load %arg10[%get3A_121, %get3A_122] {strides = array<i32>} : memref<128x64xf32, #tpu.memory_space<vmem>>, vector<16xf32>,
      %get3A_124 = arith.index_cast %scan3A_82 : i32 to index
      %get3A_125 = arith.constant 48 : index
      %get3A_126 = tpu.vector_load %arg11[%get3A_124, %get3A_125] {strides = array<i32>} : memref<128x64xf32, #tpu.memory_space<vmem>>, vector<16xf32>,
      %add3A_127 = arith.addf %get3A_123, %get3A_126 : vector<16xf32>
      %mul3A_128 = arith.constant 64 : i32
      %mul3A_129 = arith.muli %scan3A_82, %mul3A_128 : i32
      %add3A_130 = arith.constant 48 : i32
      %add3A_131 = arith.addi %mul3A_129, %add3A_130 : i32
      %swap3A_132 = arith.index_cast %add3A_131 : i32 to index
      %swap3A_133 = tpu.vector_load %arg12[%swap3A_132] {strides = array<i32>} : memref<8192xf32, #tpu.memory_space<vmem>>, vector<16xf32>,
      tpu.vector_store %arg12[%swap3A_132], %add3A_127 {strides = array<i32>} : memref<8192xf32, #tpu.memory_space<vmem>>, vector<16xf32>,
    }
    %scan3A_20 = arith.constant 128 : i32
    %broadcast_in_dim3A = arith.constant 0.000000e+00 : f32
    %broadcast_in_dim3A_21 = vector.broadcast %broadcast_in_dim3A : f32 to vector<16xf32>
    %dma_start3A_22 = arith.constant 0 : i32
    %dma_start3A_23 = arith.constant 0 : i32
    %dma_start3A_24 = tpu.memref_slice %arg13[%dma_start3A_22, %dma_start3A_23] : memref<128x128xi32, #tpu.memory_space<vmem>> -> memref<1x128xi32, #tpu.memory_space<vmem>>
    %dma_start3A_25 = tpu.memref_squeeze %dma_start3A_24 : memref<1x128xi32, #tpu.memory_space<vmem>> -> memref<128xi32, #tpu.memory_space<vmem>>
    %dma_start3A_26 = arith.constant 0 : i32
    %dma_start3A_27 = arith.constant 0 : i32
    %dma_start3A_28 = tpu.memref_slice %arg5[%dma_start3A_26, %dma_start3A_27] : memref<1000000x64xf32, #tpu.memory_space<hbm>> -> memref<1000000x64xf32, #tpu.memory_space<hbm>>
    tpu.enqueue_indirect_dma source(%dma_start3A_28 : memref<1000000x64xf32, #tpu.memory_space<hbm>>) target(%arg14 : memref<128x64xf32, #tpu.memory_space<vmem>>) offsets(%dma_start3A_25 : memref<128xi32, #tpu.memory_space<vmem>>) semaphore(%arg19 : memref<!tpu.dma_semaphore, #tpu.memory_space<semaphore_mem>>)
    %scan3A_29 = arith.constant 0 : i32
    %scan3A_30 = arith.constant 0 : i32
    %scan3A_31 = arith.constant 63 : i32
    %scan3A_32 = arith.addi %scan3A_30, %scan3A_31 : i32
    %scan3A_33 = arith.constant 1 : i32
    scf.for %scan3A_82 = %scan3A_30 to %scan3A_32 step %scan3A_33  : i32 {
      %mul3A_83 = arith.constant 2 : i32
      %mul3A_84 = arith.muli %mul3A_83, %scan3A_82 : i32
      %add3A_85 = arith.constant 1 : i32
      %add3A_86 = arith.addi %mul3A_84, %add3A_85 : i32
      %dma_start3A_87 = arith.constant 0 : i32
      %dma_start3A_88 = tpu.memref_slice %arg13[%add3A_86, %dma_start3A_87] : memref<128x128xi32, #tpu.memory_space<vmem>> -> memref<1x128xi32, #tpu.memory_space<vmem>>
      %dma_start3A_89 = tpu.memref_squeeze %dma_start3A_88 : memref<1x128xi32, #tpu.memory_space<vmem>> -> memref<128xi32, #tpu.memory_space<vmem>>
      %dma_start3A_90 = arith.constant 0 : i32
      %dma_start3A_91 = arith.constant 0 : i32
      %dma_start3A_92 = tpu.memref_slice %arg5[%dma_start3A_90, %dma_start3A_91] : memref<1000000x64xf32, #tpu.memory_space<hbm>> -> memref<1000000x64xf32, #tpu.memory_space<hbm>>
      tpu.enqueue_indirect_dma source(%dma_start3A_92 : memref<1000000x64xf32, #tpu.memory_space<hbm>>) target(%arg15 : memref<128x64xf32, #tpu.memory_space<vmem>>) offsets(%dma_start3A_89 : memref<128xi32, #tpu.memory_space<vmem>>) semaphore(%arg20 : memref<!tpu.dma_semaphore, #tpu.memory_space<semaphore_mem>>)
      %dma_wait3A_93 = arith.constant 0 : i32
      %dma_wait3A_94 = arith.constant 0 : i32
      %dma_wait3A_95 = tpu.memref_slice %arg13[%dma_wait3A_93, %dma_wait3A_94] : memref<128x128xi32, #tpu.memory_space<vmem>> -> memref<1x128xi32, #tpu.memory_space<vmem>>
      %dma_wait3A_96 = tpu.memref_squeeze %dma_wait3A_95 : memref<1x128xi32, #tpu.memory_space<vmem>> -> memref<128xi32, #tpu.memory_space<vmem>>
      %dma_wait3A_97 = arith.constant 0 : i32
      %dma_wait3A_98 = arith.constant 0 : i32
      %dma_wait3A_99 = tpu.memref_slice %arg5[%dma_wait3A_97, %dma_wait3A_98] : memref<1000000x64xf32, #tpu.memory_space<hbm>> -> memref<1000000x64xf32, #tpu.memory_space<hbm>>
      tpu.wait_indirect_dma semaphore(%arg19 : memref<!tpu.dma_semaphore, #tpu.memory_space<semaphore_mem>>) src(%dma_wait3A_99 : memref<1000000x64xf32, #tpu.memory_space<hbm>>) dst(%arg14 : memref<128x64xf32, #tpu.memory_space<vmem>>)
      %mul3A_100 = arith.constant 64 : i32
      %mul3A_101 = arith.muli %mul3A_84, %mul3A_100 : i32
      %add3A_102 = arith.constant 0 : i32
      %add3A_103 = arith.addi %mul3A_101, %add3A_102 : i32
      %get3A_104 = arith.index_cast %add3A_103 : i32 to index
      %get3A_105 = tpu.vector_load %arg12[%get3A_104] {strides = array<i32>} : memref<8192xf32, #tpu.memory_space<vmem>>, vector<16xf32>,
      %mul3A_106 = arith.constant 64 : i32
      %mul3A_107 = arith.muli %mul3A_84, %mul3A_106 : i32
      %add3A_108 = arith.constant 16 : i32
      %add3A_109 = arith.addi %mul3A_107, %add3A_108 : i32
      %get3A_110 = arith.index_cast %add3A_109 : i32 to index
      %get3A_111 = tpu.vector_load %arg12[%get3A_110] {strides = array<i32>} : memref<8192xf32, #tpu.memory_space<vmem>>, vector<16xf32>,
      %mul3A_112 = arith.constant 64 : i32
      %mul3A_113 = arith.muli %mul3A_84, %mul3A_112 : i32
      %add3A_114 = arith.constant 32 : i32
      %add3A_115 = arith.addi %mul3A_113, %add3A_114 : i32
      %get3A_116 = arith.index_cast %add3A_115 : i32 to index
      %get3A_117 = tpu.vector_load %arg12[%get3A_116] {strides = array<i32>} : memref<8192xf32, #tpu.memory_space<vmem>>, vector<16xf32>,
      %mul3A_118 = arith.constant 64 : i32
      %mul3A_119 = arith.muli %mul3A_84, %mul3A_118 : i32
      %add3A_120 = arith.constant 48 : i32
      %add3A_121 = arith.addi %mul3A_119, %add3A_120 : i32
      %get3A_122 = arith.index_cast %add3A_121 : i32 to index
      %get3A_123 = tpu.vector_load %arg12[%get3A_122] {strides = array<i32>} : memref<8192xf32, #tpu.memory_space<vmem>>, vector<16xf32>,
      %parallel_loop3A_124 = arith.constant 0 : i32
      %parallel_loop3A_125 = arith.constant 128 : i32
      %parallel_loop3A_126 = arith.constant 1 : i32
      scf.for %parallel_loop3A_177 = %parallel_loop3A_124 to %parallel_loop3A_125 step %parallel_loop3A_126  : i32 {
        %parallel_loop3A_178 = arith.index_cast %parallel_loop3A_177 : i32 to index
        %parallel_loop3A_179 = arith.constant 0 : index
        %parallel_loop3A_180 = tpu.vector_load %arg14[%parallel_loop3A_178, %parallel_loop3A_179] {strides = array<i32>} : memref<128x64xf32, #tpu.memory_space<vmem>>, vector<16xf32>,
        %parallel_loop3A_181 = arith.subf %parallel_loop3A_180, %get3A_105 : vector<16xf32>
        %parallel_loop3A_182 = math.absf %parallel_loop3A_181 : vector<16xf32>
        %parallel_loop3A_183 = arith.index_cast %parallel_loop3A_177 : i32 to index
        %parallel_loop3A_184 = arith.constant 16 : index
        %parallel_loop3A_185 = tpu.vector_load %arg14[%parallel_loop3A_183, %parallel_loop3A_184] {strides = array<i32>} : memref<128x64xf32, #tpu.memory_space<vmem>>, vector<16xf32>,
        %parallel_loop3A_186 = arith.subf %parallel_loop3A_185, %get3A_111 : vector<16xf32>
        %parallel_loop3A_187 = math.absf %parallel_loop3A_186 : vector<16xf32>
        %parallel_loop3A_188 = arith.addf %parallel_loop3A_182, %parallel_loop3A_187 : vector<16xf32>
        %parallel_loop3A_189 = arith.index_cast %parallel_loop3A_177 : i32 to index
        %parallel_loop3A_190 = arith.constant 32 : index
        %parallel_loop3A_191 = tpu.vector_load %arg14[%parallel_loop3A_189, %parallel_loop3A_190] {strides = array<i32>} : memref<128x64xf32, #tpu.memory_space<vmem>>, vector<16xf32>,
        %parallel_loop3A_192 = arith.subf %parallel_loop3A_191, %get3A_117 : vector<16xf32>
        %parallel_loop3A_193 = math.absf %parallel_loop3A_192 : vector<16xf32>
        %parallel_loop3A_194 = arith.addf %parallel_loop3A_188, %parallel_loop3A_193 : vector<16xf32>
        %parallel_loop3A_195 = arith.index_cast %parallel_loop3A_177 : i32 to index
        %parallel_loop3A_196 = arith.constant 48 : index
        %parallel_loop3A_197 = tpu.vector_load %arg14[%parallel_loop3A_195, %parallel_loop3A_196] {strides = array<i32>} : memref<128x64xf32, #tpu.memory_space<vmem>>, vector<16xf32>,
        %parallel_loop3A_198 = arith.subf %parallel_loop3A_197, %get3A_123 : vector<16xf32>
        %parallel_loop3A_199 = math.absf %parallel_loop3A_198 : vector<16xf32>
        %parallel_loop3A_200 = arith.addf %parallel_loop3A_194, %parallel_loop3A_199 : vector<16xf32>
        %parallel_loop3A_201 = arith.constant 16 : i32
        %parallel_loop3A_202 = arith.muli %parallel_loop3A_177, %parallel_loop3A_201 : i32
        %parallel_loop3A_203 = arith.index_cast %parallel_loop3A_202 : i32 to index
        %parallel_loop3A_204 = tpu.vector_load %arg16[%parallel_loop3A_203] {strides = array<i32>} : memref<2048xf32, #tpu.memory_space<vmem>>, vector<16xf32>,
        tpu.vector_store %arg16[%parallel_loop3A_203], %parallel_loop3A_200 {strides = array<i32>} : memref<2048xf32, #tpu.memory_space<vmem>>, vector<16xf32>,
      } {sc.loop_unroll_factor = 4 : i64, sc.parallel_access}
      %parallel_loop3A_127 = arith.constant 0 : i32
      %parallel_loop3A_128 = arith.constant 8 : i32
      %parallel_loop3A_129 = arith.constant 1 : i32
      scf.for %parallel_loop3A_177 = %parallel_loop3A_127 to %parallel_loop3A_128 step %parallel_loop3A_129  : i32 {
        %parallel_loop3A_178 = arith.constant 16 : i32
        %parallel_loop3A_179 = arith.muli %parallel_loop3A_177, %parallel_loop3A_178 : i32
        %parallel_loop3A_180 = vector.broadcast %parallel_loop3A_179 : i32 to vector<16xi32>
        %parallel_loop3A_181 = arith.addi %parallel_loop3A_180, %iota3A : vector<16xi32>
        %parallel_loop3A_182 = arith.constant 16 : i32
        %parallel_loop3A_183 = vector.broadcast %parallel_loop3A_182 : i32 to vector<16xi32>
        %parallel_loop3A_184 = arith.muli %parallel_loop3A_181, %parallel_loop3A_183 : vector<16xi32>
        %parallel_loop3A_185 = tpu.vector_load_idx %arg16[%parallel_loop3A_184] : memref<2048xf32, #tpu.memory_space<vmem>>[vector<16xi32>], vector<16xf32>,
        %parallel_loop3A_186 = arith.constant 1 : i32
        %parallel_loop3A_187 = vector.broadcast %parallel_loop3A_186 : i32 to vector<16xi32>
        %parallel_loop3A_188 = arith.addi %parallel_loop3A_184, %parallel_loop3A_187 : vector<16xi32>
        %parallel_loop3A_189 = tpu.vector_load_idx %arg16[%parallel_loop3A_188] : memref<2048xf32, #tpu.memory_space<vmem>>[vector<16xi32>], vector<16xf32>,
        %parallel_loop3A_190 = arith.addf %parallel_loop3A_185, %parallel_loop3A_189 : vector<16xf32>
        %parallel_loop3A_191 = arith.constant 2 : i32
        %parallel_loop3A_192 = vector.broadcast %parallel_loop3A_191 : i32 to vector<16xi32>
        %parallel_loop3A_193 = arith.addi %parallel_loop3A_184, %parallel_loop3A_192 : vector<16xi32>
        %parallel_loop3A_194 = tpu.vector_load_idx %arg16[%parallel_loop3A_193] : memref<2048xf32, #tpu.memory_space<vmem>>[vector<16xi32>], vector<16xf32>,
        %parallel_loop3A_195 = arith.addf %parallel_loop3A_190, %parallel_loop3A_194 : vector<16xf32>
        %parallel_loop3A_196 = arith.constant 3 : i32
        %parallel_loop3A_197 = vector.broadcast %parallel_loop3A_196 : i32 to vector<16xi32>
        %parallel_loop3A_198 = arith.addi %parallel_loop3A_184, %parallel_loop3A_197 : vector<16xi32>
        %parallel_loop3A_199 = tpu.vector_load_idx %arg16[%parallel_loop3A_198] : memref<2048xf32, #tpu.memory_space<vmem>>[vector<16xi32>], vector<16xf32>,
        %parallel_loop3A_200 = arith.addf %parallel_loop3A_195, %parallel_loop3A_199 : vector<16xf32>
        %parallel_loop3A_201 = arith.constant 4 : i32
        %parallel_loop3A_202 = vector.broadcast %parallel_loop3A_201 : i32 to vector<16xi32>
        %parallel_loop3A_203 = arith.addi %parallel_loop3A_184, %parallel_loop3A_202 : vector<16xi32>
        %parallel_loop3A_204 = tpu.vector_load_idx %arg16[%parallel_loop3A_203] : memref<2048xf32, #tpu.memory_space<vmem>>[vector<16xi32>], vector<16xf32>,
        %parallel_loop3A_205 = arith.addf %parallel_loop3A_200, %parallel_loop3A_204 : vector<16xf32>
        %parallel_loop3A_206 = arith.constant 5 : i32
        %parallel_loop3A_207 = vector.broadcast %parallel_loop3A_206 : i32 to vector<16xi32>
        %parallel_loop3A_208 = arith.addi %parallel_loop3A_184, %parallel_loop3A_207 : vector<16xi32>
        %parallel_loop3A_209 = tpu.vector_load_idx %arg16[%parallel_loop3A_208] : memref<2048xf32, #tpu.memory_space<vmem>>[vector<16xi32>], vector<16xf32>,
        %parallel_loop3A_210 = arith.addf %parallel_loop3A_205, %parallel_loop3A_209 : vector<16xf32>
        %parallel_loop3A_211 = arith.constant 6 : i32
        %parallel_loop3A_212 = vector.broadcast %parallel_loop3A_211 : i32 to vector<16xi32>
        %parallel_loop3A_213 = arith.addi %parallel_loop3A_184, %parallel_loop3A_212 : vector<16xi32>
        %parallel_loop3A_214 = tpu.vector_load_idx %arg16[%parallel_loop3A_213] : memref<2048xf32, #tpu.memory_space<vmem>>[vector<16xi32>], vector<16xf32>,
        %parallel_loop3A_215 = arith.addf %parallel_loop3A_210, %parallel_loop3A_214 : vector<16xf32>
        %parallel_loop3A_216 = arith.constant 7 : i32
        %parallel_loop3A_217 = vector.broadcast %parallel_loop3A_216 : i32 to vector<16xi32>
        %parallel_loop3A_218 = arith.addi %parallel_loop3A_184, %parallel_loop3A_217 : vector<16xi32>
        %parallel_loop3A_219 = tpu.vector_load_idx %arg16[%parallel_loop3A_218] : memref<2048xf32, #tpu.memory_space<vmem>>[vector<16xi32>], vector<16xf32>,
        %parallel_loop3A_220 = arith.addf %parallel_loop3A_215, %parallel_loop3A_219 : vector<16xf32>
        %parallel_loop3A_221 = arith.constant 8 : i32
        %parallel_loop3A_222 = vector.broadcast %parallel_loop3A_221 : i32 to vector<16xi32>
        %parallel_loop3A_223 = arith.addi %parallel_loop3A_184, %parallel_loop3A_222 : vector<16xi32>
        %parallel_loop3A_224 = tpu.vector_load_idx %arg16[%parallel_loop3A_223] : memref<2048xf32, #tpu.memory_space<vmem>>[vector<16xi32>], vector<16xf32>,
        %parallel_loop3A_225 = arith.addf %parallel_loop3A_220, %parallel_loop3A_224 : vector<16xf32>
        %parallel_loop3A_226 = arith.constant 9 : i32
        %parallel_loop3A_227 = vector.broadcast %parallel_loop3A_226 : i32 to vector<16xi32>
        %parallel_loop3A_228 = arith.addi %parallel_loop3A_184, %parallel_loop3A_227 : vector<16xi32>
        %parallel_loop3A_229 = tpu.vector_load_idx %arg16[%parallel_loop3A_228] : memref<2048xf32, #tpu.memory_space<vmem>>[vector<16xi32>], vector<16xf32>,
        %parallel_loop3A_230 = arith.addf %parallel_loop3A_225, %parallel_loop3A_229 : vector<16xf32>
        %parallel_loop3A_231 = arith.constant 10 : i32
        %parallel_loop3A_232 = vector.broadcast %parallel_loop3A_231 : i32 to vector<16xi32>
        %parallel_loop3A_233 = arith.addi %parallel_loop3A_184, %parallel_loop3A_232 : vector<16xi32>
        %parallel_loop3A_234 = tpu.vector_load_idx %arg16[%parallel_loop3A_233] : memref<2048xf32, #tpu.memory_space<vmem>>[vector<16xi32>], vector<16xf32>,
        %parallel_loop3A_235 = arith.addf %parallel_loop3A_230, %parallel_loop3A_234 : vector<16xf32>
        %parallel_loop3A_236 = arith.constant 11 : i32
        %parallel_loop3A_237 = vector.broadcast %parallel_loop3A_236 : i32 to vector<16xi32>
        %parallel_loop3A_238 = arith.addi %parallel_loop3A_184, %parallel_loop3A_237 : vector<16xi32>
        %parallel_loop3A_239 = tpu.vector_load_idx %arg16[%parallel_loop3A_238] : memref<2048xf32, #tpu.memory_space<vmem>>[vector<16xi32>], vector<16xf32>,
        %parallel_loop3A_240 = arith.addf %parallel_loop3A_235, %parallel_loop3A_239 : vector<16xf32>
        %parallel_loop3A_241 = arith.constant 12 : i32
        %parallel_loop3A_242 = vector.broadcast %parallel_loop3A_241 : i32 to vector<16xi32>
        %parallel_loop3A_243 = arith.addi %parallel_loop3A_184, %parallel_loop3A_242 : vector<16xi32>
        %parallel_loop3A_244 = tpu.vector_load_idx %arg16[%parallel_loop3A_243] : memref<2048xf32, #tpu.memory_space<vmem>>[vector<16xi32>], vector<16xf32>,
        %parallel_loop3A_245 = arith.addf %parallel_loop3A_240, %parallel_loop3A_244 : vector<16xf32>
        %parallel_loop3A_246 = arith.constant 13 : i32
        %parallel_loop3A_247 = vector.broadcast %parallel_loop3A_246 : i32 to vector<16xi32>
        %parallel_loop3A_248 = arith.addi %parallel_loop3A_184, %parallel_loop3A_247 : vector<16xi32>
        %parallel_loop3A_249 = tpu.vector_load_idx %arg16[%parallel_loop3A_248] : memref<2048xf32, #tpu.memory_space<vmem>>[vector<16xi32>], vector<16xf32>,
        %parallel_loop3A_250 = arith.addf %parallel_loop3A_245, %parallel_loop3A_249 : vector<16xf32>
        %parallel_loop3A_251 = arith.constant 14 : i32
        %parallel_loop3A_252 = vector.broadcast %parallel_loop3A_251 : i32 to vector<16xi32>
        %parallel_loop3A_253 = arith.addi %parallel_loop3A_184, %parallel_loop3A_252 : vector<16xi32>
        %parallel_loop3A_254 = tpu.vector_load_idx %arg16[%parallel_loop3A_253] : memref<2048xf32, #tpu.memory_space<vmem>>[vector<16xi32>], vector<16xf32>,
        %parallel_loop3A_255 = arith.addf %parallel_loop3A_250, %parallel_loop3A_254 : vector<16xf32>
        %parallel_loop3A_256 = arith.constant 15 : i32
        %parallel_loop3A_257 = vector.broadcast %parallel_loop3A_256 : i32 to vector<16xi32>
        %parallel_loop3A_258 = arith.addi %parallel_loop3A_184, %parallel_loop3A_257 : vector<16xi32>
        %parallel_loop3A_259 = tpu.vector_load_idx %arg16[%parallel_loop3A_258] : memref<2048xf32, #tpu.memory_space<vmem>>[vector<16xi32>], vector<16xf32>,
        %parallel_loop3A_260 = arith.addf %parallel_loop3A_255, %parallel_loop3A_259 : vector<16xf32>
        %parallel_loop3A_261 = arith.constant 1.200000e+01 : f32
        %parallel_loop3A_262 = vector.broadcast %parallel_loop3A_261 : f32 to vector<16xf32>
        %parallel_loop3A_263 = arith.subf %parallel_loop3A_262, %parallel_loop3A_260 : vector<16xf32>
        %parallel_loop3A_264 = arith.constant 16 : i32
        %parallel_loop3A_265 = arith.muli %parallel_loop3A_177, %parallel_loop3A_264 : i32
        %parallel_loop3A_266 = arith.index_cast %mul3A_84 : i32 to index
        %parallel_loop3A_267 = arith.index_cast %parallel_loop3A_265 : i32 to index
        %parallel_loop3A_268 = tpu.vector_load %arg17[%parallel_loop3A_266, %parallel_loop3A_267] {strides = array<i32>} : memref<128x128xf32, #tpu.memory_space<vmem>>, vector<16xf32>,
        tpu.vector_store %arg17[%parallel_loop3A_266, %parallel_loop3A_267], %parallel_loop3A_263 {strides = array<i32>} : memref<128x128xf32, #tpu.memory_space<vmem>>, vector<16xf32>,
      } {sc.loop_unroll_factor = 2 : i64, sc.parallel_access}
      %add3A_130 = arith.constant 2 : i32
      %add3A_131 = arith.addi %mul3A_84, %add3A_130 : i32
      %dma_start3A_132 = arith.constant 0 : i32
      %dma_start3A_133 = tpu.memref_slice %arg13[%add3A_131, %dma_start3A_132] : memref<128x128xi32, #tpu.memory_space<vmem>> -> memref<1x128xi32, #tpu.memory_space<vmem>>
      %dma_start3A_134 = tpu.memref_squeeze %dma_start3A_133 : memref<1x128xi32, #tpu.memory_space<vmem>> -> memref<128xi32, #tpu.memory_space<vmem>>
      %dma_start3A_135 = arith.constant 0 : i32
      %dma_start3A_136 = arith.constant 0 : i32
      %dma_start3A_137 = tpu.memref_slice %arg5[%dma_start3A_135, %dma_start3A_136] : memref<1000000x64xf32, #tpu.memory_space<hbm>> -> memref<1000000x64xf32, #tpu.memory_space<hbm>>
      tpu.enqueue_indirect_dma source(%dma_start3A_137 : memref<1000000x64xf32, #tpu.memory_space<hbm>>) target(%arg14 : memref<128x64xf32, #tpu.memory_space<vmem>>) offsets(%dma_start3A_134 : memref<128xi32, #tpu.memory_space<vmem>>) semaphore(%arg19 : memref<!tpu.dma_semaphore, #tpu.memory_space<semaphore_mem>>)
      %dma_wait3A_138 = arith.constant 0 : i32
      %dma_wait3A_139 = arith.constant 0 : i32
      %dma_wait3A_140 = tpu.memref_slice %arg13[%dma_wait3A_138, %dma_wait3A_139] : memref<128x128xi32, #tpu.memory_space<vmem>> -> memref<1x128xi32, #tpu.memory_space<vmem>>
      %dma_wait3A_141 = tpu.memref_squeeze %dma_wait3A_140 : memref<1x128xi32, #tpu.memory_space<vmem>> -> memref<128xi32, #tpu.memory_space<vmem>>
      %dma_wait3A_142 = arith.constant 0 : i32
      %dma_wait3A_143 = arith.constant 0 : i32
      %dma_wait3A_144 = tpu.memref_slice %arg5[%dma_wait3A_142, %dma_wait3A_143] : memref<1000000x64xf32, #tpu.memory_space<hbm>> -> memref<1000000x64xf32, #tpu.memory_space<hbm>>
      tpu.wait_indirect_dma semaphore(%arg20 : memref<!tpu.dma_semaphore, #tpu.memory_space<semaphore_mem>>) src(%dma_wait3A_144 : memref<1000000x64xf32, #tpu.memory_space<hbm>>) dst(%arg15 : memref<128x64xf32, #tpu.memory_space<vmem>>)
      %add3A_145 = arith.constant 1 : i32
      %add3A_146 = arith.addi %mul3A_84, %add3A_145 : i32
      %mul3A_147 = arith.constant 64 : i32
      %mul3A_148 = arith.muli %add3A_146, %mul3A_147 : i32
      %add3A_149 = arith.constant 0 : i32
      %add3A_150 = arith.addi %mul3A_148, %add3A_149 : i32
      %get3A_151 = arith.index_cast %add3A_150 : i32 to index
      %get3A_152 = tpu.vector_load %arg12[%get3A_151] {strides = array<i32>} : memref<8192xf32, #tpu.memory_space<vmem>>, vector<16xf32>,
      %mul3A_153 = arith.constant 64 : i32
      %mul3A_154 = arith.muli %add3A_146, %mul3A_153 : i32
      %add3A_155 = arith.constant 16 : i32
      %add3A_156 = arith.addi %mul3A_154, %add3A_155 : i32
      %get3A_157 = arith.index_cast %add3A_156 : i32 to index
      %get3A_158 = tpu.vector_load %arg12[%get3A_157] {strides = array<i32>} : memref<8192xf32, #tpu.memory_space<vmem>>, vector<16xf32>,
      %mul3A_159 = arith.constant 64 : i32
      %mul3A_160 = arith.muli %add3A_146, %mul3A_159 : i32
      %add3A_161 = arith.constant 32 : i32
      %add3A_162 = arith.addi %mul3A_160, %add3A_161 : i32
      %get3A_163 = arith.index_cast %add3A_162 : i32 to index
      %get3A_164 = tpu.vector_load %arg12[%get3A_163] {strides = array<i32>} : memref<8192xf32, #tpu.memory_space<vmem>>, vector<16xf32>,
      %mul3A_165 = arith.constant 64 : i32
      %mul3A_166 = arith.muli %add3A_146, %mul3A_165 : i32
      %add3A_167 = arith.constant 48 : i32
      %add3A_168 = arith.addi %mul3A_166, %add3A_167 : i32
      %get3A_169 = arith.index_cast %add3A_168 : i32 to index
      %get3A_170 = tpu.vector_load %arg12[%get3A_169] {strides = array<i32>} : memref<8192xf32, #tpu.memory_space<vmem>>, vector<16xf32>,
      %parallel_loop3A_171 = arith.constant 0 : i32
      %parallel_loop3A_172 = arith.constant 128 : i32
      %parallel_loop3A_173 = arith.constant 1 : i32
      scf.for %parallel_loop3A_177 = %parallel_loop3A_171 to %parallel_loop3A_172 step %parallel_loop3A_173  : i32 {
        %parallel_loop3A_178 = arith.index_cast %parallel_loop3A_177 : i32 to index
        %parallel_loop3A_179 = arith.constant 0 : index
        %parallel_loop3A_180 = tpu.vector_load %arg15[%parallel_loop3A_178, %parallel_loop3A_179] {strides = array<i32>} : memref<128x64xf32, #tpu.memory_space<vmem>>, vector<16xf32>,
        %parallel_loop3A_181 = arith.subf %parallel_loop3A_180, %get3A_152 : vector<16xf32>
        %parallel_loop3A_182 = math.absf %parallel_loop3A_181 : vector<16xf32>
        %parallel_loop3A_183 = arith.index_cast %parallel_loop3A_177 : i32 to index
        %parallel_loop3A_184 = arith.constant 16 : index
        %parallel_loop3A_185 = tpu.vector_load %arg15[%parallel_loop3A_183, %parallel_loop3A_184] {strides = array<i32>} : memref<128x64xf32, #tpu.memory_space<vmem>>, vector<16xf32>,
        %parallel_loop3A_186 = arith.subf %parallel_loop3A_185, %get3A_158 : vector<16xf32>
        %parallel_loop3A_187 = math.absf %parallel_loop3A_186 : vector<16xf32>
        %parallel_loop3A_188 = arith.addf %parallel_loop3A_182, %parallel_loop3A_187 : vector<16xf32>
        %parallel_loop3A_189 = arith.index_cast %parallel_loop3A_177 : i32 to index
        %parallel_loop3A_190 = arith.constant 32 : index
        %parallel_loop3A_191 = tpu.vector_load %arg15[%parallel_loop3A_189, %parallel_loop3A_190] {strides = array<i32>} : memref<128x64xf32, #tpu.memory_space<vmem>>, vector<16xf32>,
        %parallel_loop3A_192 = arith.subf %parallel_loop3A_191, %get3A_164 : vector<16xf32>
        %parallel_loop3A_193 = math.absf %parallel_loop3A_192 : vector<16xf32>
        %parallel_loop3A_194 = arith.addf %parallel_loop3A_188, %parallel_loop3A_193 : vector<16xf32>
        %parallel_loop3A_195 = arith.index_cast %parallel_loop3A_177 : i32 to index
        %parallel_loop3A_196 = arith.constant 48 : index
        %parallel_loop3A_197 = tpu.vector_load %arg15[%parallel_loop3A_195, %parallel_loop3A_196] {strides = array<i32>} : memref<128x64xf32, #tpu.memory_space<vmem>>, vector<16xf32>,
        %parallel_loop3A_198 = arith.subf %parallel_loop3A_197, %get3A_170 : vector<16xf32>
        %parallel_loop3A_199 = math.absf %parallel_loop3A_198 : vector<16xf32>
        %parallel_loop3A_200 = arith.addf %parallel_loop3A_194, %parallel_loop3A_199 : vector<16xf32>
        %parallel_loop3A_201 = arith.constant 16 : i32
        %parallel_loop3A_202 = arith.muli %parallel_loop3A_177, %parallel_loop3A_201 : i32
        %parallel_loop3A_203 = arith.index_cast %parallel_loop3A_202 : i32 to index
        %parallel_loop3A_204 = tpu.vector_load %arg16[%parallel_loop3A_203] {strides = array<i32>} : memref<2048xf32, #tpu.memory_space<vmem>>, vector<16xf32>,
        tpu.vector_store %arg16[%parallel_loop3A_203], %parallel_loop3A_200 {strides = array<i32>} : memref<2048xf32, #tpu.memory_space<vmem>>, vector<16xf32>,
      } {sc.loop_unroll_factor = 4 : i64, sc.parallel_access}
      %parallel_loop3A_174 = arith.constant 0 : i32
      %parallel_loop3A_175 = arith.constant 8 : i32
      %parallel_loop3A_176 = arith.constant 1 : i32
      scf.for %parallel_loop3A_177 = %parallel_loop3A_174 to %parallel_loop3A_175 step %parallel_loop3A_176  : i32 {
        %parallel_loop3A_178 = arith.constant 16 : i32
        %parallel_loop3A_179 = arith.muli %parallel_loop3A_177, %parallel_loop3A_178 : i32
        %parallel_loop3A_180 = vector.broadcast %parallel_loop3A_179 : i32 to vector<16xi32>
        %parallel_loop3A_181 = arith.addi %parallel_loop3A_180, %iota3A : vector<16xi32>
        %parallel_loop3A_182 = arith.constant 16 : i32
        %parallel_loop3A_183 = vector.broadcast %parallel_loop3A_182 : i32 to vector<16xi32>
        %parallel_loop3A_184 = arith.muli %parallel_loop3A_181, %parallel_loop3A_183 : vector<16xi32>
        %parallel_loop3A_185 = tpu.vector_load_idx %arg16[%parallel_loop3A_184] : memref<2048xf32, #tpu.memory_space<vmem>>[vector<16xi32>], vector<16xf32>,
        %parallel_loop3A_186 = arith.constant 1 : i32
        %parallel_loop3A_187 = vector.broadcast %parallel_loop3A_186 : i32 to vector<16xi32>
        %parallel_loop3A_188 = arith.addi %parallel_loop3A_184, %parallel_loop3A_187 : vector<16xi32>
        %parallel_loop3A_189 = tpu.vector_load_idx %arg16[%parallel_loop3A_188] : memref<2048xf32, #tpu.memory_space<vmem>>[vector<16xi32>], vector<16xf32>,
        %parallel_loop3A_190 = arith.addf %parallel_loop3A_185, %parallel_loop3A_189 : vector<16xf32>
        %parallel_loop3A_191 = arith.constant 2 : i32
        %parallel_loop3A_192 = vector.broadcast %parallel_loop3A_191 : i32 to vector<16xi32>
        %parallel_loop3A_193 = arith.addi %parallel_loop3A_184, %parallel_loop3A_192 : vector<16xi32>
        %parallel_loop3A_194 = tpu.vector_load_idx %arg16[%parallel_loop3A_193] : memref<2048xf32, #tpu.memory_space<vmem>>[vector<16xi32>], vector<16xf32>,
        %parallel_loop3A_195 = arith.addf %parallel_loop3A_190, %parallel_loop3A_194 : vector<16xf32>
        %parallel_loop3A_196 = arith.constant 3 : i32
        %parallel_loop3A_197 = vector.broadcast %parallel_loop3A_196 : i32 to vector<16xi32>
        %parallel_loop3A_198 = arith.addi %parallel_loop3A_184, %parallel_loop3A_197 : vector<16xi32>
        %parallel_loop3A_199 = tpu.vector_load_idx %arg16[%parallel_loop3A_198] : memref<2048xf32, #tpu.memory_space<vmem>>[vector<16xi32>], vector<16xf32>,
        %parallel_loop3A_200 = arith.addf %parallel_loop3A_195, %parallel_loop3A_199 : vector<16xf32>
        %parallel_loop3A_201 = arith.constant 4 : i32
        %parallel_loop3A_202 = vector.broadcast %parallel_loop3A_201 : i32 to vector<16xi32>
        %parallel_loop3A_203 = arith.addi %parallel_loop3A_184, %parallel_loop3A_202 : vector<16xi32>
        %parallel_loop3A_204 = tpu.vector_load_idx %arg16[%parallel_loop3A_203] : memref<2048xf32, #tpu.memory_space<vmem>>[vector<16xi32>], vector<16xf32>,
        %parallel_loop3A_205 = arith.addf %parallel_loop3A_200, %parallel_loop3A_204 : vector<16xf32>
        %parallel_loop3A_206 = arith.constant 5 : i32
        %parallel_loop3A_207 = vector.broadcast %parallel_loop3A_206 : i32 to vector<16xi32>
        %parallel_loop3A_208 = arith.addi %parallel_loop3A_184, %parallel_loop3A_207 : vector<16xi32>
        %parallel_loop3A_209 = tpu.vector_load_idx %arg16[%parallel_loop3A_208] : memref<2048xf32, #tpu.memory_space<vmem>>[vector<16xi32>], vector<16xf32>,
        %parallel_loop3A_210 = arith.addf %parallel_loop3A_205, %parallel_loop3A_209 : vector<16xf32>
        %parallel_loop3A_211 = arith.constant 6 : i32
        %parallel_loop3A_212 = vector.broadcast %parallel_loop3A_211 : i32 to vector<16xi32>
        %parallel_loop3A_213 = arith.addi %parallel_loop3A_184, %parallel_loop3A_212 : vector<16xi32>
        %parallel_loop3A_214 = tpu.vector_load_idx %arg16[%parallel_loop3A_213] : memref<2048xf32, #tpu.memory_space<vmem>>[vector<16xi32>], vector<16xf32>,
        %parallel_loop3A_215 = arith.addf %parallel_loop3A_210, %parallel_loop3A_214 : vector<16xf32>
        %parallel_loop3A_216 = arith.constant 7 : i32
        %parallel_loop3A_217 = vector.broadcast %parallel_loop3A_216 : i32 to vector<16xi32>
        %parallel_loop3A_218 = arith.addi %parallel_loop3A_184, %parallel_loop3A_217 : vector<16xi32>
        %parallel_loop3A_219 = tpu.vector_load_idx %arg16[%parallel_loop3A_218] : memref<2048xf32, #tpu.memory_space<vmem>>[vector<16xi32>], vector<16xf32>,
        %parallel_loop3A_220 = arith.addf %parallel_loop3A_215, %parallel_loop3A_219 : vector<16xf32>
        %parallel_loop3A_221 = arith.constant 8 : i32
        %parallel_loop3A_222 = vector.broadcast %parallel_loop3A_221 : i32 to vector<16xi32>
        %parallel_loop3A_223 = arith.addi %parallel_loop3A_184, %parallel_loop3A_222 : vector<16xi32>
        %parallel_loop3A_224 = tpu.vector_load_idx %arg16[%parallel_loop3A_223] : memref<2048xf32, #tpu.memory_space<vmem>>[vector<16xi32>], vector<16xf32>,
        %parallel_loop3A_225 = arith.addf %parallel_loop3A_220, %parallel_loop3A_224 : vector<16xf32>
        %parallel_loop3A_226 = arith.constant 9 : i32
        %parallel_loop3A_227 = vector.broadcast %parallel_loop3A_226 : i32 to vector<16xi32>
        %parallel_loop3A_228 = arith.addi %parallel_loop3A_184, %parallel_loop3A_227 : vector<16xi32>
        %parallel_loop3A_229 = tpu.vector_load_idx %arg16[%parallel_loop3A_228] : memref<2048xf32, #tpu.memory_space<vmem>>[vector<16xi32>], vector<16xf32>,
        %parallel_loop3A_230 = arith.addf %parallel_loop3A_225, %parallel_loop3A_229 : vector<16xf32>
        %parallel_loop3A_231 = arith.constant 10 : i32
        %parallel_loop3A_232 = vector.broadcast %parallel_loop3A_231 : i32 to vector<16xi32>
        %parallel_loop3A_233 = arith.addi %parallel_loop3A_184, %parallel_loop3A_232 : vector<16xi32>
        %parallel_loop3A_234 = tpu.vector_load_idx %arg16[%parallel_loop3A_233] : memref<2048xf32, #tpu.memory_space<vmem>>[vector<16xi32>], vector<16xf32>,
        %parallel_loop3A_235 = arith.addf %parallel_loop3A_230, %parallel_loop3A_234 : vector<16xf32>
        %parallel_loop3A_236 = arith.constant 11 : i32
        %parallel_loop3A_237 = vector.broadcast %parallel_loop3A_236 : i32 to vector<16xi32>
        %parallel_loop3A_238 = arith.addi %parallel_loop3A_184, %parallel_loop3A_237 : vector<16xi32>
        %parallel_loop3A_239 = tpu.vector_load_idx %arg16[%parallel_loop3A_238] : memref<2048xf32, #tpu.memory_space<vmem>>[vector<16xi32>], vector<16xf32>,
        %parallel_loop3A_240 = arith.addf %parallel_loop3A_235, %parallel_loop3A_239 : vector<16xf32>
        %parallel_loop3A_241 = arith.constant 12 : i32
        %parallel_loop3A_242 = vector.broadcast %parallel_loop3A_241 : i32 to vector<16xi32>
        %parallel_loop3A_243 = arith.addi %parallel_loop3A_184, %parallel_loop3A_242 : vector<16xi32>
        %parallel_loop3A_244 = tpu.vector_load_idx %arg16[%parallel_loop3A_243] : memref<2048xf32, #tpu.memory_space<vmem>>[vector<16xi32>], vector<16xf32>,
        %parallel_loop3A_245 = arith.addf %parallel_loop3A_240, %parallel_loop3A_244 : vector<16xf32>
        %parallel_loop3A_246 = arith.constant 13 : i32
        %parallel_loop3A_247 = vector.broadcast %parallel_loop3A_246 : i32 to vector<16xi32>
        %parallel_loop3A_248 = arith.addi %parallel_loop3A_184, %parallel_loop3A_247 : vector<16xi32>
        %parallel_loop3A_249 = tpu.vector_load_idx %arg16[%parallel_loop3A_248] : memref<2048xf32, #tpu.memory_space<vmem>>[vector<16xi32>], vector<16xf32>,
        %parallel_loop3A_250 = arith.addf %parallel_loop3A_245, %parallel_loop3A_249 : vector<16xf32>
        %parallel_loop3A_251 = arith.constant 14 : i32
        %parallel_loop3A_252 = vector.broadcast %parallel_loop3A_251 : i32 to vector<16xi32>
        %parallel_loop3A_253 = arith.addi %parallel_loop3A_184, %parallel_loop3A_252 : vector<16xi32>
        %parallel_loop3A_254 = tpu.vector_load_idx %arg16[%parallel_loop3A_253] : memref<2048xf32, #tpu.memory_space<vmem>>[vector<16xi32>], vector<16xf32>,
        %parallel_loop3A_255 = arith.addf %parallel_loop3A_250, %parallel_loop3A_254 : vector<16xf32>
        %parallel_loop3A_256 = arith.constant 15 : i32
        %parallel_loop3A_257 = vector.broadcast %parallel_loop3A_256 : i32 to vector<16xi32>
        %parallel_loop3A_258 = arith.addi %parallel_loop3A_184, %parallel_loop3A_257 : vector<16xi32>
        %parallel_loop3A_259 = tpu.vector_load_idx %arg16[%parallel_loop3A_258] : memref<2048xf32, #tpu.memory_space<vmem>>[vector<16xi32>], vector<16xf32>,
        %parallel_loop3A_260 = arith.addf %parallel_loop3A_255, %parallel_loop3A_259 : vector<16xf32>
        %parallel_loop3A_261 = arith.constant 1.200000e+01 : f32
        %parallel_loop3A_262 = vector.broadcast %parallel_loop3A_261 : f32 to vector<16xf32>
        %parallel_loop3A_263 = arith.subf %parallel_loop3A_262, %parallel_loop3A_260 : vector<16xf32>
        %parallel_loop3A_264 = arith.constant 16 : i32
        %parallel_loop3A_265 = arith.muli %parallel_loop3A_177, %parallel_loop3A_264 : i32
        %parallel_loop3A_266 = arith.index_cast %add3A_146 : i32 to index
        %parallel_loop3A_267 = arith.index_cast %parallel_loop3A_265 : i32 to index
        %parallel_loop3A_268 = tpu.vector_load %arg17[%parallel_loop3A_266, %parallel_loop3A_267] {strides = array<i32>} : memref<128x128xf32, #tpu.memory_space<vmem>>, vector<16xf32>,
        tpu.vector_store %arg17[%parallel_loop3A_266, %parallel_loop3A_267], %parallel_loop3A_263 {strides = array<i32>} : memref<128x128xf32, #tpu.memory_space<vmem>>, vector<16xf32>,
      } {sc.loop_unroll_factor = 2 : i64, sc.parallel_access}
    }
    %scan3A_34 = arith.constant 63 : i32
    %dma_start3A_35 = arith.constant 127 : i32
    %dma_start3A_36 = arith.constant 0 : i32
    %dma_start3A_37 = tpu.memref_slice %arg13[%dma_start3A_35, %dma_start3A_36] : memref<128x128xi32, #tpu.memory_space<vmem>> -> memref<1x128xi32, #tpu.memory_space<vmem>>
    %dma_start3A_38 = tpu.memref_squeeze %dma_start3A_37 : memref<1x128xi32, #tpu.memory_space<vmem>> -> memref<128xi32, #tpu.memory_space<vmem>>
    %dma_start3A_39 = arith.constant 0 : i32
    %dma_start3A_40 = arith.constant 0 : i32
    %dma_start3A_41 = tpu.memref_slice %arg5[%dma_start3A_39, %dma_start3A_40] : memref<1000000x64xf32, #tpu.memory_space<hbm>> -> memref<1000000x64xf32, #tpu.memory_space<hbm>>
    tpu.enqueue_indirect_dma source(%dma_start3A_41 : memref<1000000x64xf32, #tpu.memory_space<hbm>>) target(%arg15 : memref<128x64xf32, #tpu.memory_space<vmem>>) offsets(%dma_start3A_38 : memref<128xi32, #tpu.memory_space<vmem>>) semaphore(%arg20 : memref<!tpu.dma_semaphore, #tpu.memory_space<semaphore_mem>>)
    %dma_wait3A_42 = arith.constant 0 : i32
    %dma_wait3A_43 = arith.constant 0 : i32
    %dma_wait3A_44 = tpu.memref_slice %arg13[%dma_wait3A_42, %dma_wait3A_43] : memref<128x128xi32, #tpu.memory_space<vmem>> -> memref<1x128xi32, #tpu.memory_space<vmem>>
    %dma_wait3A_45 = tpu.memref_squeeze %dma_wait3A_44 : memref<1x128xi32, #tpu.memory_space<vmem>> -> memref<128xi32, #tpu.memory_space<vmem>>
    %dma_wait3A_46 = arith.constant 0 : i32
    %dma_wait3A_47 = arith.constant 0 : i32
    %dma_wait3A_48 = tpu.memref_slice %arg5[%dma_wait3A_46, %dma_wait3A_47] : memref<1000000x64xf32, #tpu.memory_space<hbm>> -> memref<1000000x64xf32, #tpu.memory_space<hbm>>
    tpu.wait_indirect_dma semaphore(%arg19 : memref<!tpu.dma_semaphore, #tpu.memory_space<semaphore_mem>>) src(%dma_wait3A_48 : memref<1000000x64xf32, #tpu.memory_space<hbm>>) dst(%arg14 : memref<128x64xf32, #tpu.memory_space<vmem>>)
    %get3A = arith.constant 8064 : index
    %get3A_49 = tpu.vector_load %arg12[%get3A] {strides = array<i32>} : memref<8192xf32, #tpu.memory_space<vmem>>, vector<16xf32>,
    %get3A_50 = arith.constant 8080 : index
    %get3A_51 = tpu.vector_load %arg12[%get3A_50] {strides = array<i32>} : memref<8192xf32, #tpu.memory_space<vmem>>, vector<16xf32>,
    %get3A_52 = arith.constant 8096 : index
    %get3A_53 = tpu.vector_load %arg12[%get3A_52] {strides = array<i32>} : memref<8192xf32, #tpu.memory_space<vmem>>, vector<16xf32>,
    %get3A_54 = arith.constant 8112 : index
    %get3A_55 = tpu.vector_load %arg12[%get3A_54] {strides = array<i32>} : memref<8192xf32, #tpu.memory_space<vmem>>, vector<16xf32>,
    %parallel_loop3A = arith.constant 0 : i32
    %parallel_loop3A_56 = arith.constant 128 : i32
    %parallel_loop3A_57 = arith.constant 1 : i32
    scf.for %parallel_loop3A_82 = %parallel_loop3A to %parallel_loop3A_56 step %parallel_loop3A_57  : i32 {
      %parallel_loop3A_83 = arith.index_cast %parallel_loop3A_82 : i32 to index
      %parallel_loop3A_84 = arith.constant 0 : index
      %parallel_loop3A_85 = tpu.vector_load %arg14[%parallel_loop3A_83, %parallel_loop3A_84] {strides = array<i32>} : memref<128x64xf32, #tpu.memory_space<vmem>>, vector<16xf32>,
      %parallel_loop3A_86 = arith.subf %parallel_loop3A_85, %get3A_49 : vector<16xf32>
      %parallel_loop3A_87 = math.absf %parallel_loop3A_86 : vector<16xf32>
      %parallel_loop3A_88 = arith.index_cast %parallel_loop3A_82 : i32 to index
      %parallel_loop3A_89 = arith.constant 16 : index
      %parallel_loop3A_90 = tpu.vector_load %arg14[%parallel_loop3A_88, %parallel_loop3A_89] {strides = array<i32>} : memref<128x64xf32, #tpu.memory_space<vmem>>, vector<16xf32>,
      %parallel_loop3A_91 = arith.subf %parallel_loop3A_90, %get3A_51 : vector<16xf32>
      %parallel_loop3A_92 = math.absf %parallel_loop3A_91 : vector<16xf32>
      %parallel_loop3A_93 = arith.addf %parallel_loop3A_87, %parallel_loop3A_92 : vector<16xf32>
      %parallel_loop3A_94 = arith.index_cast %parallel_loop3A_82 : i32 to index
      %parallel_loop3A_95 = arith.constant 32 : index
      %parallel_loop3A_96 = tpu.vector_load %arg14[%parallel_loop3A_94, %parallel_loop3A_95] {strides = array<i32>} : memref<128x64xf32, #tpu.memory_space<vmem>>, vector<16xf32>,
      %parallel_loop3A_97 = arith.subf %parallel_loop3A_96, %get3A_53 : vector<16xf32>
      %parallel_loop3A_98 = math.absf %parallel_loop3A_97 : vector<16xf32>
      %parallel_loop3A_99 = arith.addf %parallel_loop3A_93, %parallel_loop3A_98 : vector<16xf32>
      %parallel_loop3A_100 = arith.index_cast %parallel_loop3A_82 : i32 to index
      %parallel_loop3A_101 = arith.constant 48 : index
      %parallel_loop3A_102 = tpu.vector_load %arg14[%parallel_loop3A_100, %parallel_loop3A_101] {strides = array<i32>} : memref<128x64xf32, #tpu.memory_space<vmem>>, vector<16xf32>,
      %parallel_loop3A_103 = arith.subf %parallel_loop3A_102, %get3A_55 : vector<16xf32>
      %parallel_loop3A_104 = math.absf %parallel_loop3A_103 : vector<16xf32>
      %parallel_loop3A_105 = arith.addf %parallel_loop3A_99, %parallel_loop3A_104 : vector<16xf32>
      %parallel_loop3A_106 = arith.constant 16 : i32
      %parallel_loop3A_107 = arith.muli %parallel_loop3A_82, %parallel_loop3A_106 : i32
      %parallel_loop3A_108 = arith.index_cast %parallel_loop3A_107 : i32 to index
      %parallel_loop3A_109 = tpu.vector_load %arg16[%parallel_loop3A_108] {strides = array<i32>} : memref<2048xf32, #tpu.memory_space<vmem>>, vector<16xf32>,
      tpu.vector_store %arg16[%parallel_loop3A_108], %parallel_loop3A_105 {strides = array<i32>} : memref<2048xf32, #tpu.memory_space<vmem>>, vector<16xf32>,
    } {sc.loop_unroll_factor = 4 : i64, sc.parallel_access}
    %parallel_loop3A_58 = arith.constant 0 : i32
    %parallel_loop3A_59 = arith.constant 8 : i32
    %parallel_loop3A_60 = arith.constant 1 : i32
    scf.for %parallel_loop3A_82 = %parallel_loop3A_58 to %parallel_loop3A_59 step %parallel_loop3A_60  : i32 {
      %parallel_loop3A_83 = arith.constant 16 : i32
      %parallel_loop3A_84 = arith.muli %parallel_loop3A_82, %parallel_loop3A_83 : i32
      %parallel_loop3A_85 = vector.broadcast %parallel_loop3A_84 : i32 to vector<16xi32>
      %parallel_loop3A_86 = arith.addi %parallel_loop3A_85, %iota3A : vector<16xi32>
      %parallel_loop3A_87 = arith.constant 16 : i32
      %parallel_loop3A_88 = vector.broadcast %parallel_loop3A_87 : i32 to vector<16xi32>
      %parallel_loop3A_89 = arith.muli %parallel_loop3A_86, %parallel_loop3A_88 : vector<16xi32>
      %parallel_loop3A_90 = tpu.vector_load_idx %arg16[%parallel_loop3A_89] : memref<2048xf32, #tpu.memory_space<vmem>>[vector<16xi32>], vector<16xf32>,
      %parallel_loop3A_91 = arith.constant 1 : i32
      %parallel_loop3A_92 = vector.broadcast %parallel_loop3A_91 : i32 to vector<16xi32>
      %parallel_loop3A_93 = arith.addi %parallel_loop3A_89, %parallel_loop3A_92 : vector<16xi32>
      %parallel_loop3A_94 = tpu.vector_load_idx %arg16[%parallel_loop3A_93] : memref<2048xf32, #tpu.memory_space<vmem>>[vector<16xi32>], vector<16xf32>,
      %parallel_loop3A_95 = arith.addf %parallel_loop3A_90, %parallel_loop3A_94 : vector<16xf32>
      %parallel_loop3A_96 = arith.constant 2 : i32
      %parallel_loop3A_97 = vector.broadcast %parallel_loop3A_96 : i32 to vector<16xi32>
      %parallel_loop3A_98 = arith.addi %parallel_loop3A_89, %parallel_loop3A_97 : vector<16xi32>
      %parallel_loop3A_99 = tpu.vector_load_idx %arg16[%parallel_loop3A_98] : memref<2048xf32, #tpu.memory_space<vmem>>[vector<16xi32>], vector<16xf32>,
      %parallel_loop3A_100 = arith.addf %parallel_loop3A_95, %parallel_loop3A_99 : vector<16xf32>
      %parallel_loop3A_101 = arith.constant 3 : i32
      %parallel_loop3A_102 = vector.broadcast %parallel_loop3A_101 : i32 to vector<16xi32>
      %parallel_loop3A_103 = arith.addi %parallel_loop3A_89, %parallel_loop3A_102 : vector<16xi32>
      %parallel_loop3A_104 = tpu.vector_load_idx %arg16[%parallel_loop3A_103] : memref<2048xf32, #tpu.memory_space<vmem>>[vector<16xi32>], vector<16xf32>,
      %parallel_loop3A_105 = arith.addf %parallel_loop3A_100, %parallel_loop3A_104 : vector<16xf32>
      %parallel_loop3A_106 = arith.constant 4 : i32
      %parallel_loop3A_107 = vector.broadcast %parallel_loop3A_106 : i32 to vector<16xi32>
      %parallel_loop3A_108 = arith.addi %parallel_loop3A_89, %parallel_loop3A_107 : vector<16xi32>
      %parallel_loop3A_109 = tpu.vector_load_idx %arg16[%parallel_loop3A_108] : memref<2048xf32, #tpu.memory_space<vmem>>[vector<16xi32>], vector<16xf32>,
      %parallel_loop3A_110 = arith.addf %parallel_loop3A_105, %parallel_loop3A_109 : vector<16xf32>
      %parallel_loop3A_111 = arith.constant 5 : i32
      %parallel_loop3A_112 = vector.broadcast %parallel_loop3A_111 : i32 to vector<16xi32>
      %parallel_loop3A_113 = arith.addi %parallel_loop3A_89, %parallel_loop3A_112 : vector<16xi32>
      %parallel_loop3A_114 = tpu.vector_load_idx %arg16[%parallel_loop3A_113] : memref<2048xf32, #tpu.memory_space<vmem>>[vector<16xi32>], vector<16xf32>,
      %parallel_loop3A_115 = arith.addf %parallel_loop3A_110, %parallel_loop3A_114 : vector<16xf32>
      %parallel_loop3A_116 = arith.constant 6 : i32
      %parallel_loop3A_117 = vector.broadcast %parallel_loop3A_116 : i32 to vector<16xi32>
      %parallel_loop3A_118 = arith.addi %parallel_loop3A_89, %parallel_loop3A_117 : vector<16xi32>
      %parallel_loop3A_119 = tpu.vector_load_idx %arg16[%parallel_loop3A_118] : memref<2048xf32, #tpu.memory_space<vmem>>[vector<16xi32>], vector<16xf32>,
      %parallel_loop3A_120 = arith.addf %parallel_loop3A_115, %parallel_loop3A_119 : vector<16xf32>
      %parallel_loop3A_121 = arith.constant 7 : i32
      %parallel_loop3A_122 = vector.broadcast %parallel_loop3A_121 : i32 to vector<16xi32>
      %parallel_loop3A_123 = arith.addi %parallel_loop3A_89, %parallel_loop3A_122 : vector<16xi32>
      %parallel_loop3A_124 = tpu.vector_load_idx %arg16[%parallel_loop3A_123] : memref<2048xf32, #tpu.memory_space<vmem>>[vector<16xi32>], vector<16xf32>,
      %parallel_loop3A_125 = arith.addf %parallel_loop3A_120, %parallel_loop3A_124 : vector<16xf32>
      %parallel_loop3A_126 = arith.constant 8 : i32
      %parallel_loop3A_127 = vector.broadcast %parallel_loop3A_126 : i32 to vector<16xi32>
      %parallel_loop3A_128 = arith.addi %parallel_loop3A_89, %parallel_loop3A_127 : vector<16xi32>
      %parallel_loop3A_129 = tpu.vector_load_idx %arg16[%parallel_loop3A_128] : memref<2048xf32, #tpu.memory_space<vmem>>[vector<16xi32>], vector<16xf32>,
      %parallel_loop3A_130 = arith.addf %parallel_loop3A_125, %parallel_loop3A_129 : vector<16xf32>
      %parallel_loop3A_131 = arith.constant 9 : i32
      %parallel_loop3A_132 = vector.broadcast %parallel_loop3A_131 : i32 to vector<16xi32>
      %parallel_loop3A_133 = arith.addi %parallel_loop3A_89, %parallel_loop3A_132 : vector<16xi32>
      %parallel_loop3A_134 = tpu.vector_load_idx %arg16[%parallel_loop3A_133] : memref<2048xf32, #tpu.memory_space<vmem>>[vector<16xi32>], vector<16xf32>,
      %parallel_loop3A_135 = arith.addf %parallel_loop3A_130, %parallel_loop3A_134 : vector<16xf32>
      %parallel_loop3A_136 = arith.constant 10 : i32
      %parallel_loop3A_137 = vector.broadcast %parallel_loop3A_136 : i32 to vector<16xi32>
      %parallel_loop3A_138 = arith.addi %parallel_loop3A_89, %parallel_loop3A_137 : vector<16xi32>
      %parallel_loop3A_139 = tpu.vector_load_idx %arg16[%parallel_loop3A_138] : memref<2048xf32, #tpu.memory_space<vmem>>[vector<16xi32>], vector<16xf32>,
      %parallel_loop3A_140 = arith.addf %parallel_loop3A_135, %parallel_loop3A_139 : vector<16xf32>
      %parallel_loop3A_141 = arith.constant 11 : i32
      %parallel_loop3A_142 = vector.broadcast %parallel_loop3A_141 : i32 to vector<16xi32>
      %parallel_loop3A_143 = arith.addi %parallel_loop3A_89, %parallel_loop3A_142 : vector<16xi32>
      %parallel_loop3A_144 = tpu.vector_load_idx %arg16[%parallel_loop3A_143] : memref<2048xf32, #tpu.memory_space<vmem>>[vector<16xi32>], vector<16xf32>,
      %parallel_loop3A_145 = arith.addf %parallel_loop3A_140, %parallel_loop3A_144 : vector<16xf32>
      %parallel_loop3A_146 = arith.constant 12 : i32
      %parallel_loop3A_147 = vector.broadcast %parallel_loop3A_146 : i32 to vector<16xi32>
      %parallel_loop3A_148 = arith.addi %parallel_loop3A_89, %parallel_loop3A_147 : vector<16xi32>
      %parallel_loop3A_149 = tpu.vector_load_idx %arg16[%parallel_loop3A_148] : memref<2048xf32, #tpu.memory_space<vmem>>[vector<16xi32>], vector<16xf32>,
      %parallel_loop3A_150 = arith.addf %parallel_loop3A_145, %parallel_loop3A_149 : vector<16xf32>
      %parallel_loop3A_151 = arith.constant 13 : i32
      %parallel_loop3A_152 = vector.broadcast %parallel_loop3A_151 : i32 to vector<16xi32>
      %parallel_loop3A_153 = arith.addi %parallel_loop3A_89, %parallel_loop3A_152 : vector<16xi32>
      %parallel_loop3A_154 = tpu.vector_load_idx %arg16[%parallel_loop3A_153] : memref<2048xf32, #tpu.memory_space<vmem>>[vector<16xi32>], vector<16xf32>,
      %parallel_loop3A_155 = arith.addf %parallel_loop3A_150, %parallel_loop3A_154 : vector<16xf32>
      %parallel_loop3A_156 = arith.constant 14 : i32
      %parallel_loop3A_157 = vector.broadcast %parallel_loop3A_156 : i32 to vector<16xi32>
      %parallel_loop3A_158 = arith.addi %parallel_loop3A_89, %parallel_loop3A_157 : vector<16xi32>
      %parallel_loop3A_159 = tpu.vector_load_idx %arg16[%parallel_loop3A_158] : memref<2048xf32, #tpu.memory_space<vmem>>[vector<16xi32>], vector<16xf32>,
      %parallel_loop3A_160 = arith.addf %parallel_loop3A_155, %parallel_loop3A_159 : vector<16xf32>
      %parallel_loop3A_161 = arith.constant 15 : i32
      %parallel_loop3A_162 = vector.broadcast %parallel_loop3A_161 : i32 to vector<16xi32>
      %parallel_loop3A_163 = arith.addi %parallel_loop3A_89, %parallel_loop3A_162 : vector<16xi32>
      %parallel_loop3A_164 = tpu.vector_load_idx %arg16[%parallel_loop3A_163] : memref<2048xf32, #tpu.memory_space<vmem>>[vector<16xi32>], vector<16xf32>,
      %parallel_loop3A_165 = arith.addf %parallel_loop3A_160, %parallel_loop3A_164 : vector<16xf32>
      %parallel_loop3A_166 = arith.constant 1.200000e+01 : f32
      %parallel_loop3A_167 = vector.broadcast %parallel_loop3A_166 : f32 to vector<16xf32>
      %parallel_loop3A_168 = arith.subf %parallel_loop3A_167, %parallel_loop3A_165 : vector<16xf32>
      %parallel_loop3A_169 = arith.constant 16 : i32
      %parallel_loop3A_170 = arith.muli %parallel_loop3A_82, %parallel_loop3A_169 : i32
      %parallel_loop3A_171 = arith.constant 126 : i32
      %parallel_loop3A_172 = arith.index_cast %parallel_loop3A_171 : i32 to index
      %parallel_loop3A_173 = arith.index_cast %parallel_loop3A_170 : i32 to index
      %parallel_loop3A_174 = tpu.vector_load %arg17[%parallel_loop3A_172, %parallel_loop3A_173] {strides = array<i32>} : memref<128x128xf32, #tpu.memory_space<vmem>>, vector<16xf32>,
      tpu.vector_store %arg17[%parallel_loop3A_172, %parallel_loop3A_173], %parallel_loop3A_168 {strides = array<i32>} : memref<128x128xf32, #tpu.memory_space<vmem>>, vector<16xf32>,
    } {sc.loop_unroll_factor = 2 : i64, sc.parallel_access}
    %dma_wait3A_61 = arith.constant 0 : i32
    %dma_wait3A_62 = arith.constant 0 : i32
    %dma_wait3A_63 = tpu.memref_slice %arg13[%dma_wait3A_61, %dma_wait3A_62] : memref<128x128xi32, #tpu.memory_space<vmem>> -> memref<1x128xi32, #tpu.memory_space<vmem>>
    %dma_wait3A_64 = tpu.memref_squeeze %dma_wait3A_63 : memref<1x128xi32, #tpu.memory_space<vmem>> -> memref<128xi32, #tpu.memory_space<vmem>>
    %dma_wait3A_65 = arith.constant 0 : i32
    %dma_wait3A_66 = arith.constant 0 : i32
    %dma_wait3A_67 = tpu.memref_slice %arg5[%dma_wait3A_65, %dma_wait3A_66] : memref<1000000x64xf32, #tpu.memory_space<hbm>> -> memref<1000000x64xf32, #tpu.memory_space<hbm>>
    tpu.wait_indirect_dma semaphore(%arg20 : memref<!tpu.dma_semaphore, #tpu.memory_space<semaphore_mem>>) src(%dma_wait3A_67 : memref<1000000x64xf32, #tpu.memory_space<hbm>>) dst(%arg15 : memref<128x64xf32, #tpu.memory_space<vmem>>)
    %get3A_68 = arith.constant 8128 : index
    %get3A_69 = tpu.vector_load %arg12[%get3A_68] {strides = array<i32>} : memref<8192xf32, #tpu.memory_space<vmem>>, vector<16xf32>,
    %get3A_70 = arith.constant 8144 : index
    %get3A_71 = tpu.vector_load %arg12[%get3A_70] {strides = array<i32>} : memref<8192xf32, #tpu.memory_space<vmem>>, vector<16xf32>,
    %get3A_72 = arith.constant 8160 : index
    %get3A_73 = tpu.vector_load %arg12[%get3A_72] {strides = array<i32>} : memref<8192xf32, #tpu.memory_space<vmem>>, vector<16xf32>,
    %get3A_74 = arith.constant 8176 : index
    %get3A_75 = tpu.vector_load %arg12[%get3A_74] {strides = array<i32>} : memref<8192xf32, #tpu.memory_space<vmem>>, vector<16xf32>,
    %parallel_loop3A_76 = arith.constant 0 : i32
    %parallel_loop3A_77 = arith.constant 128 : i32
    %parallel_loop3A_78 = arith.constant 1 : i32
    scf.for %parallel_loop3A_82 = %parallel_loop3A_76 to %parallel_loop3A_77 step %parallel_loop3A_78  : i32 {
      %parallel_loop3A_83 = arith.index_cast %parallel_loop3A_82 : i32 to index
      %parallel_loop3A_84 = arith.constant 0 : index
      %parallel_loop3A_85 = tpu.vector_load %arg15[%parallel_loop3A_83, %parallel_loop3A_84] {strides = array<i32>} : memref<128x64xf32, #tpu.memory_space<vmem>>, vector<16xf32>,
      %parallel_loop3A_86 = arith.subf %parallel_loop3A_85, %get3A_69 : vector<16xf32>
      %parallel_loop3A_87 = math.absf %parallel_loop3A_86 : vector<16xf32>
      %parallel_loop3A_88 = arith.index_cast %parallel_loop3A_82 : i32 to index
      %parallel_loop3A_89 = arith.constant 16 : index
      %parallel_loop3A_90 = tpu.vector_load %arg15[%parallel_loop3A_88, %parallel_loop3A_89] {strides = array<i32>} : memref<128x64xf32, #tpu.memory_space<vmem>>, vector<16xf32>,
      %parallel_loop3A_91 = arith.subf %parallel_loop3A_90, %get3A_71 : vector<16xf32>
      %parallel_loop3A_92 = math.absf %parallel_loop3A_91 : vector<16xf32>
      %parallel_loop3A_93 = arith.addf %parallel_loop3A_87, %parallel_loop3A_92 : vector<16xf32>
      %parallel_loop3A_94 = arith.index_cast %parallel_loop3A_82 : i32 to index
      %parallel_loop3A_95 = arith.constant 32 : index
      %parallel_loop3A_96 = tpu.vector_load %arg15[%parallel_loop3A_94, %parallel_loop3A_95] {strides = array<i32>} : memref<128x64xf32, #tpu.memory_space<vmem>>, vector<16xf32>,
      %parallel_loop3A_97 = arith.subf %parallel_loop3A_96, %get3A_73 : vector<16xf32>
      %parallel_loop3A_98 = math.absf %parallel_loop3A_97 : vector<16xf32>
      %parallel_loop3A_99 = arith.addf %parallel_loop3A_93, %parallel_loop3A_98 : vector<16xf32>
      %parallel_loop3A_100 = arith.index_cast %parallel_loop3A_82 : i32 to index
      %parallel_loop3A_101 = arith.constant 48 : index
      %parallel_loop3A_102 = tpu.vector_load %arg15[%parallel_loop3A_100, %parallel_loop3A_101] {strides = array<i32>} : memref<128x64xf32, #tpu.memory_space<vmem>>, vector<16xf32>,
      %parallel_loop3A_103 = arith.subf %parallel_loop3A_102, %get3A_75 : vector<16xf32>
      %parallel_loop3A_104 = math.absf %parallel_loop3A_103 : vector<16xf32>
      %parallel_loop3A_105 = arith.addf %parallel_loop3A_99, %parallel_loop3A_104 : vector<16xf32>
      %parallel_loop3A_106 = arith.constant 16 : i32
      %parallel_loop3A_107 = arith.muli %parallel_loop3A_82, %parallel_loop3A_106 : i32
      %parallel_loop3A_108 = arith.index_cast %parallel_loop3A_107 : i32 to index
      %parallel_loop3A_109 = tpu.vector_load %arg16[%parallel_loop3A_108] {strides = array<i32>} : memref<2048xf32, #tpu.memory_space<vmem>>, vector<16xf32>,
      tpu.vector_store %arg16[%parallel_loop3A_108], %parallel_loop3A_105 {strides = array<i32>} : memref<2048xf32, #tpu.memory_space<vmem>>, vector<16xf32>,
    } {sc.loop_unroll_factor = 4 : i64, sc.parallel_access}
    %parallel_loop3A_79 = arith.constant 0 : i32
    %parallel_loop3A_80 = arith.constant 8 : i32
    %parallel_loop3A_81 = arith.constant 1 : i32
    scf.for %parallel_loop3A_82 = %parallel_loop3A_79 to %parallel_loop3A_80 step %parallel_loop3A_81  : i32 {
      %parallel_loop3A_83 = arith.constant 16 : i32
      %parallel_loop3A_84 = arith.muli %parallel_loop3A_82, %parallel_loop3A_83 : i32
      %parallel_loop3A_85 = vector.broadcast %parallel_loop3A_84 : i32 to vector<16xi32>
      %parallel_loop3A_86 = arith.addi %parallel_loop3A_85, %iota3A : vector<16xi32>
      %parallel_loop3A_87 = arith.constant 16 : i32
      %parallel_loop3A_88 = vector.broadcast %parallel_loop3A_87 : i32 to vector<16xi32>
      %parallel_loop3A_89 = arith.muli %parallel_loop3A_86, %parallel_loop3A_88 : vector<16xi32>
      %parallel_loop3A_90 = tpu.vector_load_idx %arg16[%parallel_loop3A_89] : memref<2048xf32, #tpu.memory_space<vmem>>[vector<16xi32>], vector<16xf32>,
      %parallel_loop3A_91 = arith.constant 1 : i32
      %parallel_loop3A_92 = vector.broadcast %parallel_loop3A_91 : i32 to vector<16xi32>
      %parallel_loop3A_93 = arith.addi %parallel_loop3A_89, %parallel_loop3A_92 : vector<16xi32>
      %parallel_loop3A_94 = tpu.vector_load_idx %arg16[%parallel_loop3A_93] : memref<2048xf32, #tpu.memory_space<vmem>>[vector<16xi32>], vector<16xf32>,
      %parallel_loop3A_95 = arith.addf %parallel_loop3A_90, %parallel_loop3A_94 : vector<16xf32>
      %parallel_loop3A_96 = arith.constant 2 : i32
      %parallel_loop3A_97 = vector.broadcast %parallel_loop3A_96 : i32 to vector<16xi32>
      %parallel_loop3A_98 = arith.addi %parallel_loop3A_89, %parallel_loop3A_97 : vector<16xi32>
      %parallel_loop3A_99 = tpu.vector_load_idx %arg16[%parallel_loop3A_98] : memref<2048xf32, #tpu.memory_space<vmem>>[vector<16xi32>], vector<16xf32>,
      %parallel_loop3A_100 = arith.addf %parallel_loop3A_95, %parallel_loop3A_99 : vector<16xf32>
      %parallel_loop3A_101 = arith.constant 3 : i32
      %parallel_loop3A_102 = vector.broadcast %parallel_loop3A_101 : i32 to vector<16xi32>
      %parallel_loop3A_103 = arith.addi %parallel_loop3A_89, %parallel_loop3A_102 : vector<16xi32>
      %parallel_loop3A_104 = tpu.vector_load_idx %arg16[%parallel_loop3A_103] : memref<2048xf32, #tpu.memory_space<vmem>>[vector<16xi32>], vector<16xf32>,
      %parallel_loop3A_105 = arith.addf %parallel_loop3A_100, %parallel_loop3A_104 : vector<16xf32>
      %parallel_loop3A_106 = arith.constant 4 : i32
      %parallel_loop3A_107 = vector.broadcast %parallel_loop3A_106 : i32 to vector<16xi32>
      %parallel_loop3A_108 = arith.addi %parallel_loop3A_89, %parallel_loop3A_107 : vector<16xi32>
      %parallel_loop3A_109 = tpu.vector_load_idx %arg16[%parallel_loop3A_108] : memref<2048xf32, #tpu.memory_space<vmem>>[vector<16xi32>], vector<16xf32>,
      %parallel_loop3A_110 = arith.addf %parallel_loop3A_105, %parallel_loop3A_109 : vector<16xf32>
      %parallel_loop3A_111 = arith.constant 5 : i32
      %parallel_loop3A_112 = vector.broadcast %parallel_loop3A_111 : i32 to vector<16xi32>
      %parallel_loop3A_113 = arith.addi %parallel_loop3A_89, %parallel_loop3A_112 : vector<16xi32>
      %parallel_loop3A_114 = tpu.vector_load_idx %arg16[%parallel_loop3A_113] : memref<2048xf32, #tpu.memory_space<vmem>>[vector<16xi32>], vector<16xf32>,
      %parallel_loop3A_115 = arith.addf %parallel_loop3A_110, %parallel_loop3A_114 : vector<16xf32>
      %parallel_loop3A_116 = arith.constant 6 : i32
      %parallel_loop3A_117 = vector.broadcast %parallel_loop3A_116 : i32 to vector<16xi32>
      %parallel_loop3A_118 = arith.addi %parallel_loop3A_89, %parallel_loop3A_117 : vector<16xi32>
      %parallel_loop3A_119 = tpu.vector_load_idx %arg16[%parallel_loop3A_118] : memref<2048xf32, #tpu.memory_space<vmem>>[vector<16xi32>], vector<16xf32>,
      %parallel_loop3A_120 = arith.addf %parallel_loop3A_115, %parallel_loop3A_119 : vector<16xf32>
      %parallel_loop3A_121 = arith.constant 7 : i32
      %parallel_loop3A_122 = vector.broadcast %parallel_loop3A_121 : i32 to vector<16xi32>
      %parallel_loop3A_123 = arith.addi %parallel_loop3A_89, %parallel_loop3A_122 : vector<16xi32>
      %parallel_loop3A_124 = tpu.vector_load_idx %arg16[%parallel_loop3A_123] : memref<2048xf32, #tpu.memory_space<vmem>>[vector<16xi32>], vector<16xf32>,
      %parallel_loop3A_125 = arith.addf %parallel_loop3A_120, %parallel_loop3A_124 : vector<16xf32>
      %parallel_loop3A_126 = arith.constant 8 : i32
      %parallel_loop3A_127 = vector.broadcast %parallel_loop3A_126 : i32 to vector<16xi32>
      %parallel_loop3A_128 = arith.addi %parallel_loop3A_89, %parallel_loop3A_127 : vector<16xi32>
      %parallel_loop3A_129 = tpu.vector_load_idx %arg16[%parallel_loop3A_128] : memref<2048xf32, #tpu.memory_space<vmem>>[vector<16xi32>], vector<16xf32>,
      %parallel_loop3A_130 = arith.addf %parallel_loop3A_125, %parallel_loop3A_129 : vector<16xf32>
      %parallel_loop3A_131 = arith.constant 9 : i32
      %parallel_loop3A_132 = vector.broadcast %parallel_loop3A_131 : i32 to vector<16xi32>
      %parallel_loop3A_133 = arith.addi %parallel_loop3A_89, %parallel_loop3A_132 : vector<16xi32>
      %parallel_loop3A_134 = tpu.vector_load_idx %arg16[%parallel_loop3A_133] : memref<2048xf32, #tpu.memory_space<vmem>>[vector<16xi32>], vector<16xf32>,
      %parallel_loop3A_135 = arith.addf %parallel_loop3A_130, %parallel_loop3A_134 : vector<16xf32>
      %parallel_loop3A_136 = arith.constant 10 : i32
      %parallel_loop3A_137 = vector.broadcast %parallel_loop3A_136 : i32 to vector<16xi32>
      %parallel_loop3A_138 = arith.addi %parallel_loop3A_89, %parallel_loop3A_137 : vector<16xi32>
      %parallel_loop3A_139 = tpu.vector_load_idx %arg16[%parallel_loop3A_138] : memref<2048xf32, #tpu.memory_space<vmem>>[vector<16xi32>], vector<16xf32>,
      %parallel_loop3A_140 = arith.addf %parallel_loop3A_135, %parallel_loop3A_139 : vector<16xf32>
      %parallel_loop3A_141 = arith.constant 11 : i32
      %parallel_loop3A_142 = vector.broadcast %parallel_loop3A_141 : i32 to vector<16xi32>
      %parallel_loop3A_143 = arith.addi %parallel_loop3A_89, %parallel_loop3A_142 : vector<16xi32>
      %parallel_loop3A_144 = tpu.vector_load_idx %arg16[%parallel_loop3A_143] : memref<2048xf32, #tpu.memory_space<vmem>>[vector<16xi32>], vector<16xf32>,
      %parallel_loop3A_145 = arith.addf %parallel_loop3A_140, %parallel_loop3A_144 : vector<16xf32>
      %parallel_loop3A_146 = arith.constant 12 : i32
      %parallel_loop3A_147 = vector.broadcast %parallel_loop3A_146 : i32 to vector<16xi32>
      %parallel_loop3A_148 = arith.addi %parallel_loop3A_89, %parallel_loop3A_147 : vector<16xi32>
      %parallel_loop3A_149 = tpu.vector_load_idx %arg16[%parallel_loop3A_148] : memref<2048xf32, #tpu.memory_space<vmem>>[vector<16xi32>], vector<16xf32>,
      %parallel_loop3A_150 = arith.addf %parallel_loop3A_145, %parallel_loop3A_149 : vector<16xf32>
      %parallel_loop3A_151 = arith.constant 13 : i32
      %parallel_loop3A_152 = vector.broadcast %parallel_loop3A_151 : i32 to vector<16xi32>
      %parallel_loop3A_153 = arith.addi %parallel_loop3A_89, %parallel_loop3A_152 : vector<16xi32>
      %parallel_loop3A_154 = tpu.vector_load_idx %arg16[%parallel_loop3A_153] : memref<2048xf32, #tpu.memory_space<vmem>>[vector<16xi32>], vector<16xf32>,
      %parallel_loop3A_155 = arith.addf %parallel_loop3A_150, %parallel_loop3A_154 : vector<16xf32>
      %parallel_loop3A_156 = arith.constant 14 : i32
      %parallel_loop3A_157 = vector.broadcast %parallel_loop3A_156 : i32 to vector<16xi32>
      %parallel_loop3A_158 = arith.addi %parallel_loop3A_89, %parallel_loop3A_157 : vector<16xi32>
      %parallel_loop3A_159 = tpu.vector_load_idx %arg16[%parallel_loop3A_158] : memref<2048xf32, #tpu.memory_space<vmem>>[vector<16xi32>], vector<16xf32>,
      %parallel_loop3A_160 = arith.addf %parallel_loop3A_155, %parallel_loop3A_159 : vector<16xf32>
      %parallel_loop3A_161 = arith.constant 15 : i32
      %parallel_loop3A_162 = vector.broadcast %parallel_loop3A_161 : i32 to vector<16xi32>
      %parallel_loop3A_163 = arith.addi %parallel_loop3A_89, %parallel_loop3A_162 : vector<16xi32>
      %parallel_loop3A_164 = tpu.vector_load_idx %arg16[%parallel_loop3A_163] : memref<2048xf32, #tpu.memory_space<vmem>>[vector<16xi32>], vector<16xf32>,
      %parallel_loop3A_165 = arith.addf %parallel_loop3A_160, %parallel_loop3A_164 : vector<16xf32>
      %parallel_loop3A_166 = arith.constant 1.200000e+01 : f32
      %parallel_loop3A_167 = vector.broadcast %parallel_loop3A_166 : f32 to vector<16xf32>
      %parallel_loop3A_168 = arith.subf %parallel_loop3A_167, %parallel_loop3A_165 : vector<16xf32>
      %parallel_loop3A_169 = arith.constant 16 : i32
      %parallel_loop3A_170 = arith.muli %parallel_loop3A_82, %parallel_loop3A_169 : i32
      %parallel_loop3A_171 = arith.constant 127 : i32
      %parallel_loop3A_172 = arith.index_cast %parallel_loop3A_171 : i32 to index
      %parallel_loop3A_173 = arith.index_cast %parallel_loop3A_170 : i32 to index
      %parallel_loop3A_174 = tpu.vector_load %arg17[%parallel_loop3A_172, %parallel_loop3A_173] {strides = array<i32>} : memref<128x128xf32, #tpu.memory_space<vmem>>, vector<16xf32>,
      tpu.vector_store %arg17[%parallel_loop3A_172, %parallel_loop3A_173], %parallel_loop3A_168 {strides = array<i32>} : memref<128x128xf32, #tpu.memory_space<vmem>>, vector<16xf32>,
    } {sc.loop_unroll_factor = 2 : i64, sc.parallel_access}
    "tpu.region"() ({
      %run_scoped3A = tpu.sem_alloc : memref<!tpu.dma_semaphore, #tpu.memory_space<semaphore_mem>>
      %dma_start3A_82 = arith.constant 0 : i32
      %dma_start3A_83 = tpu.memref_slice %arg7[%mul3A_2, %dma_start3A_82] : memref<4096x128xf32, #tpu.memory_space<hbm>> -> memref<128x128xf32, #tpu.memory_space<hbm>>
      %dma_start3A_84 = arith.constant 0 : i32
      %dma_start3A_85 = tpu.memref_slice %arg7[%mul3A_2, %dma_start3A_84] : memref<4096x128xf32, #tpu.memory_space<hbm>> -> memref<128x128xf32, #tpu.memory_space<hbm>>
      tpu.enqueue_dma source(%arg17 : memref<128x128xf32, #tpu.memory_space<vmem>>) target(%dma_start3A_85 : memref<128x128xf32, #tpu.memory_space<hbm>>) target_semaphore(%run_scoped3A : memref<!tpu.dma_semaphore, #tpu.memory_space<semaphore_mem>>)
      %dma_wait3A_86 = arith.constant 0 : i32
      %dma_wait3A_87 = tpu.memref_slice %arg7[%mul3A_2, %dma_wait3A_86] : memref<4096x128xf32, #tpu.memory_space<hbm>> -> memref<128x128xf32, #tpu.memory_space<hbm>>
      %dma_wait3A_88 = arith.constant 0 : i32
      %dma_wait3A_89 = tpu.memref_slice %arg7[%mul3A_2, %dma_wait3A_88] : memref<4096x128xf32, #tpu.memory_space<hbm>> -> memref<128x128xf32, #tpu.memory_space<hbm>>
      tpu.wait_dma2 semaphore(%run_scoped3A : memref<!tpu.dma_semaphore, #tpu.memory_space<semaphore_mem>>) src(%arg17 : memref<128x128xf32, #tpu.memory_space<vmem>>) dst(%dma_wait3A_89 : memref<128x128xf32, #tpu.memory_space<hbm>>)
      tpu.yield
    }) : () -> ()
    return
  }
}

</mosaic_0001>

<sc_bundles>
// kernel: _run.3.cloned.1.call-start
scs
__scs_entry_jumppad:
0x0: {  	(pc) =	sbr.rel $0x88, $3  }
0x1: {  	(tag) =	ssettag $0x0;
	lr =	simm.s32 $0x1  }
0x2: {  	[smem:$0x3F9C] =	sst lr;
	_ =	strace $0xD0000000  }
0x3: {  	_ = 	snop  }
0x4: {  	_ = 	snop  }
0x5: {  	_ = 	snop  }
0x6: {  	_ = 	snop  }
0x7: {  	_ = 	snop  }
__scs_overlays_trampoline_lowered:
0x8: {  	[smem:$0x3FAB] =	sst s0  }
0x9: {  	[smem:$0x3FAC] =	sst s1  }
0xa: {  	[smem:$0x3FAD] =	sst s2  }
0xb: {  	[smem:$0x3FAE] =	sst s3  }
0xc: {  	[smem:$0x3FAF] =	sst s4  }
0xd: {  	[smem:$0x3FB0] =	sst s5  }
0xe: {  	[smem:$0x3FB1] =	sst s6  }
0xf: {  	[smem:$0x3FB2] =	sst s7  }
0x10: {  	[smem:$0x3FB3] =	sst s8  }
0x11: {  	[smem:$0x3FB4] =	sst s9;
	s0 =	simm.s32 @!p0 $0x0  }
0x12: {  	s1 =	sld [smem:$0x3F9A];
	s0 =	simm.s32 @p0 $0x1  }
0x13: {  	[smem:$0x3FB5] =	sst s0;
	s0 =	simm.s32 @!p1 $0x0  }
0x14: {  	s2 =	sld [smem:$0x3F99];
	s0 =	simm.s32 @p1 $0x1  }
0x15: {  	[smem:$0x3FB6] =	sst s0;
	s0 =	simm.s32 @!p2 $0x0  }
0x16: {  	s3 =	sld [smem:$0x3FDB];
	s0 =	simm.s32 @p2 $0x1  }
0x17: {  	s4 =	simm.s32 $0x1BF5;
	[smem:$0x3FB8] =	sst s0  }
0x18: {  	s0 =	sld [smem:$0x3F9B];
	_ =	swait.ge [sflag:s4], $0x0  }
0x19: {  	s7 =	sld [smem:$0x3F9C]  }
0x1a: {  	s8 =	sadd.s32 $0xFFFFE003, lr  }
0x1b: {  	s9 =	sadd.s32 $0xFFFFFEF7, lr;
	s5 =	simm.s32 $0xFFFFFFFF;
	p2 =	slt.u32 s8, $0xFFFFF086  }
0x1c: {  	p1 =	slt.u32 s9, $0xF7A;
	s5 =	simm.s32 @!p2 $0x0  }
0x1d: {  	s5 =	simm.s32 @p1 $0x1;
	p0 =	seq.s32 s7, s2  }
0x1e: {  	s7 =	smul.u32 @!p0 $0xF7A, s2;
	p2 =	seq.s32 @!p0 s5, $0x0  }
0x1f: {  	s9 =	smul.u32 $0xF7A, s1;
	s8 =	simm.s32 @!p0 $0x1BF5;
	p2 =	por !p2, p0  }
0x20: {  	[sflag:s8] =	ssyncset.s32 @!p0 $0xFFFFF086;
	s6 =	sadd.s32 @!p0 s3, s7;
	s7 =	simm.s32 @!p0 $0x108  }
0x21: {  	s3 =	sadd.s32 s3, s9;
	s6 =	sadd.s32 @!p0 $0x88, s6;
	s7 =	simm.s32 @p2 $0x1082  }
0x22: {  	[simem:s7], [sflag:s8] =	dma.local @!p0 [hbm:s6], $0xF7A  }
0x23: {  	s9 =	sor.u32 $0xD0000000, s2;
	s6 =	simm.s32 $0x108;
	_ =	swait.ge @!p0 [sflag:s8], $0x0  }
0x24: {  	s3 =	sadd.s32 $0x88, s3;
	s6 =	simm.s32 @!p1 $0x1082;
	[sflag:s4] =	ssyncset.s32 $0xFFFFF086  }
0x25: {  	[simem:s6], [sflag:s4] =	dma.local [hbm:s3], $0xF7A  }
0x26: {  	[smem:$0x3F9C] =	sst s1;
	(tag) =	ssettag s2;
	_ =	strace s9  }
0x27: {  	s1 =	sld [smem:$0x3FAC]  }
0x28: {  	s2 =	sld [smem:$0x3FAD]  }
0x29: {  	s4 =	sld [smem:$0x3FAF]  }
0x2a: {  	p0 =	seq.s32 s5, $0x0;
	s5 =	sld [smem:$0x3FB0]  }
0x2b: {  	s6 =	sld [smem:$0x3FB1]  }
0x2c: {  	s7 =	sld [smem:$0x3FB2]  }
0x2d: {  	s3 =	simm.s32 $0x108;
	s8 =	sld [smem:$0x3FB3]  }
0x2e: {  	s3 =	simm.s32 @!p0 $0x1082;
	s9 =	sld [smem:$0x3FB4]  }
0x2f: {  	lr =	sadd.s32 s0, s3;
	s0 =	sld [smem:$0x3FAB]  }
0x30: {  	s3 =	sld [smem:$0x3FAE]  }
0x31: {  	[smem:$0x3FB7] =	sst s10  }
0x32: {  	s10 =	sld [smem:$0x3FB5];
	_ =	sdelay $0x3  }
0x33: {  	p0 =	seq.s32 s10, $0x1;
	s10 =	sld [smem:$0x3FB7];
	_ =	sdelay $0x3  }
0x34: {  	[smem:$0x3FB7] =	sst s10  }
0x35: {  	s10 =	sld [smem:$0x3FB6];
	_ =	sdelay $0x3  }
0x36: {  	p1 =	seq.s32 s10, $0x1;
	s10 =	sld [smem:$0x3FB7];
	_ =	sdelay $0x3  }
0x37: {  	[smem:$0x3FB7] =	sst s10  }
0x38: {  	s10 =	sld [smem:$0x3FB8]  }
0x39: {  	_ = 	snop;
	(pc) =	sbr.ind lr, $3  }
0x3a: {  	_ = 	snop  }
0x3b: {  	_ = 	snop  }
0x3c: {  	p2 =	seq.s32 s10, $0x1;
	s10 =	sld [smem:$0x3FB7]  }
0x3d: {  	_ =	shalt  }
0x3e: {  	_ =	shalt  }
0x3f: {  	_ =	shalt  }
0x40: {  	_ =	shalt  }
0x41: {  	_ =	shalt  }
0x42: {  	_ =	shalt  }
0x43: {  	_ =	shalt  }
0x44: {  	_ =	shalt  }
0x45: {  	_ =	shalt  }
0x46: {  	_ =	shalt  }
0x47: {  	_ =	shalt  }
0x48: {  	_ =	shalt  }
0x49: {  	_ =	shalt  }
0x4a: {  	_ =	shalt  }
0x4b: {  	_ =	shalt  }
0x4c: {  	_ =	shalt  }
0x4d: {  	_ =	shalt  }
0x4e: {  	_ =	shalt  }
0x4f: {  	_ =	shalt  }
0x50: {  	_ =	shalt  }
0x51: {  	_ =	shalt  }
0x52: {  	_ =	shalt  }
0x53: {  	_ =	shalt  }
0x54: {  	_ =	shalt  }
0x55: {  	_ =	shalt  }
0x56: {  	_ =	shalt  }
0x57: {  	_ =	shalt  }
0x58: {  	_ =	shalt  }
0x59: {  	_ =	shalt  }
0x5a: {  	_ =	shalt  }
0x5b: {  	_ =	shalt  }
0x5c: {  	_ =	shalt  }
0x5d: {  	_ =	shalt  }
0x5e: {  	_ =	shalt  }
0x5f: {  	_ =	shalt  }
0x60: {  	_ =	shalt  }
0x61: {  	_ =	shalt  }
0x62: {  	_ =	shalt  }
0x63: {  	_ =	shalt  }
0x64: {  	_ =	shalt  }
0x65: {  	_ =	shalt  }
0x66: {  	_ =	shalt  }
0x67: {  	_ =	shalt  }
0x68: {  	_ =	shalt  }
0x69: {  	_ =	shalt  }
0x6a: {  	_ =	shalt  }
0x6b: {  	_ =	shalt  }
0x6c: {  	_ =	shalt  }
0x6d: {  	_ =	shalt  }
0x6e: {  	_ =	shalt  }
0x6f: {  	_ =	shalt  }
0x70: {  	_ =	shalt  }
0x71: {  	_ =	shalt  }
0x72: {  	_ =	shalt  }
0x73: {  	_ =	shalt  }
0x74: {  	_ =	shalt  }
0x75: {  	_ =	shalt  }
0x76: {  	_ =	shalt  }
0x77: {  	_ =	shalt  }
0x78: {  	_ =	shalt  }
0x79: {  	_ =	shalt  }
0x7a: {  	_ =	shalt  }
0x7b: {  	_ =	shalt  }
0x7c: {  	_ =	shalt  }
0x7d: {  	_ =	shalt  }
0x7e: {  	_ =	shalt  }
0x7f: {  	_ =	shalt  }
0x80: {  	_ =	shalt  }
0x81: {  	_ =	shalt  }
0x82: {  	_ =	shalt  }
0x83: {  	_ =	shalt  }
0x84: {  	_ =	shalt  }
0x85: {  	_ =	shalt  }
0x86: {  	_ =	shalt  }
0x87: {  	_ =	shalt  }
.Lfunc_end0:
.L_simem_size_0:
called_computation_lowered:
.L_overlay_start_0:
0x88: {  	s2 =	sld [smem:$0x3FD9]  }
0x89: {  	s3 =	sld [smem:$0x3FFE];
	_ =	sdelay $0x1  }
0x8a: {  	s1 =	srdreg.scid  }
0x8b: {  	s0 =	sand.u32 $0x1, s1  }
0x8c: {  	s17 =	sshll.u32 s0, $0xA;
	s2 =	sadd.s32 s3, s2  }
0x8d: {  	s2 =	sadd.s32 s2, s17  }
0x8e: {  	[smem:$0x3FC3] =	sst s2  }
0x8f: {  	_ = 	snop  }
0x90: {  	s2 =	sld [smem:$0x3FC9]  }
0x91: {  	s18 =	sld [smem:$0x3FC8]  }
0x92: {  	s4 =	sld [smem:$0x3FC7]  }
0x93: {  	s5 =	sld [smem:$0x3FD0];
	(tm) =	ssettm $0x1  }
0x94: {  	s6 =	sld [smem:$0x3FFB];
	_ =	sdelay $0x3  }
0x95: {  	_ =	strace s6  }
0x96: {  	s6 =	sld [smem:$0x3FFC];
	_ =	sdelay $0x3  }
0x97: {  	_ =	strace s6  }
0x98: {  	s6 =	sld [smem:$0x3FFD];
	_ =	sdelay $0x3  }
0x99: {  	_ =	strace s6  }
0x9a: {  	_ =	strace $0x8FFFFFFF  }
0x9b: {  	s19 =	sld [smem:$0x3FDB];
	_ =	sdelay $0x1  }
0x9c: {  	s7 =	simm.s32 $_scs_section_size  }
0x9d: {  	s8 =	simm.s32 $_size__tile_overlayer_lowered;
	s9 =	simm.s32 $_tile_overlayer_lowered  }
0x9e: {  	s22 =	simm.s32 $0x1BFF;
	s21 =	sshll.u32 s9, $0x1;
	s6 =	sadd.s32 s7, s19  }
0x9f: {  	s10 =	simm.s32 $0x0;
	s20 =	sshll.u32 s8, $0x1;
	s8 =	sadd.s32 s21, s6  }
0xa0: {  	[timem:s10], [sflag:s22] =	dma.local [hbm:s8], s20  }
0xa1: {  	_ =	swait.ge [sflag:s22], s20  }
0xa2: {  	s7 =	ssub.s32 $0x0, s20;
	[sflag:s22] =	ssyncset.done $0x0  }
0xa3: {  	[sflag:s22] =	ssyncadd.s32 s7;
	_ =	sdelay $0x1  }
0xa4: {  	s23 =	simm.s32 $0x1B8B  }
0xa5: {  	_ =	swait.ge [sflag:s23], $0x1  }
0xa6: {  	[sflag:s23] =	ssyncset.done $0x0  }
0xa7: {  	s25 =	simm.s32 $0x1B8E;
	s24 =	sld [smem:$0x3FFE];
	[sflag:s23] =	ssyncadd.s32 $0xFFFFFFFF  }
0xa8: {  	s26 =	simm.s32 $execute0_lowered;
	[smem:$0x3FD2] =	sst s25  }
0xa9: {  	s8 =	sshll.u32 s26, $0x1;
	_ =	strace $0x80000046;
	[dreg:$0x1] =	wrdreg $0xFFFFFFFF  }
0xaa: {  	s28 =	simm.s32 $_size_execute0_lowered;
	s6 =	sadd.s32 s6, s8;
	[dreg:$0x0] =	wrdreg $0x0  }
0xab: {  	s8 =	sshll.u32 s28, $0x1;
	[dreg:$0x2] =	wrdreg s6  }
0xac: {  	[dreg:$0x3] =	wrdreg s8  }
0xad: {  	[dreg:$0x4] =	wrdreg $0xC0  }
0xae: {  	_ =	task [dreg:s10], $0x5FFFF  }
0xaf: {  	[dreg:$0x1] =	wrdreg $0xFFFFFFFF  }
0xb0: {  	[dreg:$0x0] =	wrdreg $0x60  }
0xb1: {  	[dreg:$0x2] =	wrdreg s2  }
0xb2: {  	[dreg:$0x3] =	wrdreg s18  }
0xb3: {  	[dreg:$0x4] =	wrdreg s4  }
0xb4: {  	[dreg:$0x5] =	wrdreg s24  }
0xb5: {  	[dreg:$0x6] =	wrdreg s5  }
0xb6: {  	[dreg:$0x7] =	wrdreg $0x9  }
0xb7: {  	_ =	task.clear_ibuf [dreg:s10], $0x8FFFF;
	_ =	strace $0x90000046  }
0xb8: {  	s29 =	simm.s32 $0x9;
	_ =	strace $0x80000048  }
0xb9: {  	_ =	swait.ge [sflag:s29], $0x1  }
0xba: {  	[sflag:s29] =	ssyncadd.s32 $0xFFFFFFFF  }
0xbb: {  	_ =	strace $0x90000048  }
0xbc: {  	_ =	sfence  }
0xbd: {  	s30 =	sld [smem:$0x0];
	_ =	sdelay $0x2  }
0xbe: {  	s31 =	sshll.u32 s1, $0xD;
	s1 =	sshrl.u32 s1, $0x2  }
0xbf: {  	s3 =	sand.u32 $0x4000, s31;
	s1 =	sadd.s32 s1, s30  }
0xc0: {  	s0 =	sor.u32 s3, s0;
	s1 =	sshll.u32 s1, $0x11  }
0xc1: {  	s0 =	sor.u32 s1, s0  }
0xc2: {  	s0 =	sadd.s32 $0x8F2B, s0  }
0xc3: {  	[sflag:s0] =	ssyncadd.remote.s32 $0x1  }
0xc4: {  	_ =	sfence.sel $0xFFFF  }
0xc5: {  	[dreg:$0x0] =	wrdreg $0xFFFFFFFF;
	(pc) =	sbr.abs _section_cstart, $3  }
0xc6: {  	[dreg:$0x1] =	wrdreg $0xFFFFFFFF  }
0xc7: {  	_ =	task.clear_ibuf [dreg:s10], $0x2FFFF;
	_ =	strace $0x9FFFFFFF  }
0xc8: {  	(tm) =	ssettm $0x7FFFFFFF  }
0xc9: {  	_ =	shalt  }
tec
execute0_lowered:
.L_overlay_start_1:
0x0: {  	(tag) =	ssettag $0x1  }
0x1: {  	s0 =	rddreg [dreg:$0x0]  }
0x2: {  	s6 =	rddreg [dreg:$0x1]  }
0x3: {  	s7 =	rddreg [dreg:$0x2]  }
0x4: {  	s4 =	rddreg [dreg:$0x3]  }
0x5: {  	s8 =	rddreg [dreg:$0x4];
	s2 =	simm.s32 $0x0;
	s3 =	srdreg.scid  }
0x6: {  	s1 =	stileid.u32;
	s12 =	simm.s32 $0x6100;
	s13 =	simm.s32 $0x100  }
0x7: {  	s14 =	simm.s32 $0x1;
	s15 =	simm.s32 $0x2100;
	s16 =	simm.s32 $0xA100  }
0x8: {  	s17 =	simm.s32 $0xC100;
	s18 =	simm.s32 $0x2;
	s19 =	simm.s32 $0xE100  }
0x9: {  	s20 =	simm.s32 $0x3;
	s21 =	simm.s32 $0xA080;
	s22 =	simm.s32 $0xE900  }
0xa: {  	s23 =	simm.s32 $0x0;
	[smem:$0x7FF] =	sst s2;
	s5 =	sand.u32 $0x1, s3  }
0xb: {  	s9 =	sshll.u32 s1, $0x8;
	s3 =	sadd.s32 $0xF42A00, s4;
	s10 =	sshll.u32 s5, $0x7  }
0xc: {  	s4 =	sadd.s32 $0x600, s4;
	s5 =	ssub.s32 $0x2, s5;
	s9 =	sor.u32 s10, s9  }
0xd: {  	_ =	strace $0x80000047;
	s30 =	sshrl.u32 s5, $0x1;
	s11 =	sshrl.u32 s9, $0x3  }
0xe: {  	s10 =	ssub.s32 s5, s30;
	s31 =	sshll.u32 s9, $0x4;
	s5 =	sadd.s32 s0, s11  }
0xf: {  	v0 =	vlaneseq.u32;
	s6 =	sadd.s32 s6, s11;
	s7 =	sadd.s32 s7, s31;
	s8 =	sadd.s32 s8, s31  }
0x10: {  	v0 =	vmul.u32 $0x10, v0;
	s9 =	smax.u32 s10, $0x1;
	s10 =	simm.s32 $0x4;
	s11 =	simm.s32 $0x80  }
.LBB2_1:
0x11: {  	[tilespmem:s2], [sflag:$0x4] =	stream.linear.gather [hbm4b:s5+s2], $0x80, $0x38;
	[tilespmem:$0x12900] =	vst v63  }
0x12: {  	_ =	swait.ge [sflag:s10], $0x80  }
0x13: {  	[sflag:s10] =	ssyncset.done $0x0  }
0x14: {  	[sflag:s10] =	ssyncadd.s32 $0xFFFFFF80  }
0x15: {  	[tilespmem:s11], [sflag:$0x4] =	stream.linear.gather [hbm4b:s6+s2], $0x80, $0x38;
	[tilespmem:$0x12900] =	vst v63  }
0x16: {  	_ =	swait.ge [sflag:s10], $0x80  }
0x17: {  	[sflag:s10] =	ssyncset.done $0x0  }
0x18: {  	[sflag:s10] =	ssyncadd.s32 $0xFFFFFF80  }
0x19: {  	[tilespmem:s12], [sflag:$0x4] =	stream.linear.gather [hbm4b:s7+s2], $0x4000, $0x38;
	[tilespmem:$0x12900] =	vst v63  }
0x1a: {  	_ =	swait.ge [sflag:s10], $0x4000  }
0x1b: {  	[sflag:s10] =	ssyncset.done $0x0  }
0x1c: {  	[sflag:s10] =	ssyncadd.s32 $0xFFFFC000  }
0x1d: {  	[tilespmem:s13], [sflag:$0x1] =	stream.indirect.gather [hbm4b:s3+s11], $0x40, s2, s11, $0xb8;
	[tilespmem:$0x12900] =	vst v63  }
0x1e: {  	_ =	swait.ge [sflag:s14], $0x2000  }
0x1f: {  	[sflag:s14] =	ssyncset.done $0x0  }
0x20: {  	[sflag:s14] =	ssyncadd.s32 $0xFFFFE000  }
0x21: {  	[tilespmem:s15], [sflag:$0x1] =	stream.indirect.gather [hbm4b:s4+s11], $0x40, s11, s11, $0xb8;
	[tilespmem:$0x12900] =	vst v63  }
0x22: {  	_ =	swait.ge [sflag:s14], $0x2000  }
0x23: {  	[sflag:s14] =	ssyncset.done $0x0  }
0x24: {  	s0 =	simm.s32 $0x0;
	[sflag:s14] =	ssyncadd.s32 $0xFFFFE000  }
0x25: {  	v3 =	vld [tilespmem:s0+$0x130]  }
0x26: {  	v5 =	vld [tilespmem:s0+$0x2130]  }
0x27: {  	v6 =	vld [tilespmem:s0+$0x100]  }
0x28: {  	v7 =	vld [tilespmem:s0+$0x2100]  }
0x29: {  	v2 =	vld [tilespmem:s0+$0x110]  }
0x2a: {  	v4 =	vld [tilespmem:s0+$0x2110]  }
0x2b: {  	v1 =	vld [tilespmem:s0+$0x120];
	v8 =	vadd.f32 v5, v3  }
0x2c: {  	s24 =	simm.s32 $0x40;
	v5 =	vld [tilespmem:s0+$0x2120]  }
0x2d: {  	s25 =	simm.s32 $0x200;
	v3 =	vld [tilespmem:s24+$0x130];
	v6 =	vadd.f32 v7, v6;
	[tilespmem:s0+$0x4130] =	vst v8  }
.LBB2_2:
0x2e: {  	p0 =	sne.s32 s25, $0x7F00;
	v7 =	vld [tilespmem:s24+$0x2130]  }
0x2f: {  	v8 =	vld [tilespmem:s24+$0x100];
	[tilespmem:s0+$0x4100] =	vst v6;
	v4 =	vadd.f32 v4, v2  }
0x30: {  	v6 =	vld [tilespmem:s24+$0x2100]  }
.Ltmp0:
0x31: {  	v2 =	vld [tilespmem:s24+$0x110];
	[tilespmem:s0+$0x4110] =	vst v4;
	v5 =	vadd.f32 v5, v1;
	(pc) =	sbr.rel @p0 .LBB2_2-.Ltmp0, $4  }
0x32: {  	v4 =	vld [tilespmem:s24+$0x2110]  }
0x33: {  	v1 =	vld [tilespmem:s24+$0x120];
	v7 =	vadd.f32 v7, v3;
	[tilespmem:s0+$0x4120] =	vst v5;
	s0 =	smov.u32 s24  }
0x34: {  	s24 =	sshra.s32 s25, $0x2;
	v5 =	vld [tilespmem:s0+$0x2120]  }
0x35: {  	s25 =	sadd.s32 $0x100, s25;
	v3 =	vld [tilespmem:s24+$0x130];
	v6 =	vadd.f32 v6, v8;
	[tilespmem:s0+$0x4130] =	vst v7  }
0x36: {  	v7 =	vld [tilespmem:s24+$0x2130]  }
0x37: {  	v8 =	vld [tilespmem:s24+$0x100];
	[tilespmem:s0+$0x4100] =	vst v6;
	v2 =	vadd.f32 v4, v2  }
0x38: {  	v62 =	vld [tilespmem:s24+$0x2100]  }
0x39: {  	v6 =	vld [tilespmem:s24+$0x110];
	[tilespmem:s0+$0x4110] =	vst v2;
	v1 =	vadd.f32 v5, v1  }
0x3a: {  	v2 =	vld [tilespmem:s24+$0x2110]  }
0x3b: {  	v63 =	vld [tilespmem:s24+$0x120];
	[tilespmem:s0+$0x4120] =	vst v1  }
0x3c: {  	v1 =	vld [tilespmem:s24+$0x2120];
	_ =	sdelay $0x1  }
0x3d: {  	v3 =	vadd.f32 v7, v3  }
0x3e: {  	v4 =	vadd.f32 v62, v8  }
0x3f: {  	[tilespmem:s24+$0x4130] =	vst v3;
	v2 =	vadd.f32 v2, v6  }
0x40: {  	[tilespmem:s24+$0x4100] =	vst v4;
	v1 =	vadd.f32 v1, v63  }
0x41: {  	[tilespmem:s24+$0x4110] =	vst v2  }
0x42: {  	s25 =	simm.s32 $0xE910;
	s26 =	simm.s32 $0xE990;
	[tilespmem:s24+$0x4120] =	vst v1;
	s24 =	simm.s32 $0x0  }
0x43: {  	[tilespmem:s16], [sflag:$0x2] =	stream.indirect.gather [hbm4b:s3+s11], $0x40, s12, s11, $0xb8;
	[tilespmem:$0x12900] =	vst v63  }
.LBB2_4:
0x44: {  	s28 =	sshllo.u32 s24, $0x1  }
0x45: {  	s0 =	sshll.u32 s28, $0x7  }
0x46: {  	s0 =	sadd.s32 $0x6100, s0  }
0x47: {  	[tilespmem:s17], [sflag:$0x3] =	stream.indirect.gather [hbm4b:s3+s11], $0x40, s0, s11, $0xb8;
	[tilespmem:$0x12900] =	vst v63  }
0x48: {  	_ =	swait.ge [sflag:s18], $0x2000  }
0x49: {  	s31 =	sshll.u32 s24, $0x7;
	[sflag:s18] =	ssyncset.done $0x0  }
0x4a: {  	s0 =	sand.u32 $0x3FFFFF80, s31;
	[sflag:s18] =	ssyncadd.s32 $0xFFFFE000  }
0x4b: {  	v3 =	vld [tilespmem:s0+$0x4100]  }
0x4c: {  	v4 =	vld [tilespmem:s0+$0x4110]  }
0x4d: {  	v2 =	vld [tilespmem:s0+$0x4120]  }
0x4e: {  	s30 =	simm.s32 $0xA180;
	v1 =	vld [tilespmem:s0+$0x4130]  }
0x4f: {  	v5 =	vld [tilespmem:s30+$0x40]  }
0x50: {  	v6 =	vld [tilespmem:s30+$0x50]  }
0x51: {  	v7 =	vld [tilespmem:s30+$0xFFFFFF90]  }
0x52: {  	v8 =	vld [tilespmem:s30+$0x60]  }
0x53: {  	v9 =	vld [tilespmem:s30+$0xFFFFFFC0]  }
0x54: {  	v10 =	vld [tilespmem:s30+$0x70]  }
0x55: {  	v11 =	vld [tilespmem:s30+$0xFFFFFFD0]  }
0x56: {  	v12 =	vld [tilespmem:s30+$0x0];
	v5 =	vsub.f32 v5, v3;
	v6 =	vsub.f32 v6, v4  }
0x57: {  	v13 =	vld [tilespmem:s30+$0x10]  }
0x58: {  	v8 =	vsub.f32 v8, v2;
	v5 =	vand.u32 $0x7FFFFFFF, v5;
	v6 =	vand.u32 $0x7FFFFFFF, v6  }
0x59: {  	v15 =	vld [tilespmem:s30+$0xFFFFFF80];
	v14 =	vsub.f32 v7, v4;
	v5 =	vadd.f32 v6, v5  }
0x5a: {  	v16 =	vld [tilespmem:s30+$0xFFFFFFA0];
	v7 =	vand.u32 $0x7FFFFFFF, v8;
	v8 =	vsub.f32 v10, v1;
	v10 =	vsub.f32 v11, v4  }
0x5b: {  	v6 =	vsub.f32 v9, v3;
	v9 =	vld [tilespmem:s30+$0xFFFFFFE0];
	v5 =	vadd.f32 v7, v5  }
0x5c: {  	v17 =	vsub.f32 v13, v4;
	v11 =	vsub.f32 v12, v3;
	v12 =	vand.u32 $0x7FFFFFFF, v8;
	v7 =	vld [tilespmem:s30+$0x20]  }
0x5d: {  	v8 =	vld [tilespmem:s30+$0xFFFFFFB0];
	v10 =	vand.u32 $0x7FFFFFFF, v10;
	v6 =	vand.u32 $0x7FFFFFFF, v6;
	v18 =	vadd.f32 v12, v5  }
0x5e: {  	s29 =	simm.s32 $0xE120;
	v13 =	vsub.f32 v15, v3;
	v15 =	vand.u32 $0x7FFFFFFF, v17;
	v6 =	vadd.f32 v10, v6;
	v10 =	vld [tilespmem:s30+$0xFFFFFFF0]  }
0x5f: {  	s0 =	simm.s32 $0x0;
	v5 =	vand.u32 $0x7FFFFFFF, v14;
	v14 =	vand.u32 $0x7FFFFFFF, v11;
	v12 =	vsub.f32 v16, v2;
	v11 =	vld [tilespmem:s30+$0x30];
	s30 =	simm.s32 $0xA280;
	[tilespmem:s29+$0x10] =	vst v18  }
.LBB2_5:
0x60: {  	v16 =	vld [tilespmem:s30+$0x40];
	v13 =	vand.u32 $0x7FFFFFFF, v13;
	v9 =	vsub.f32 v9, v2;
	v14 =	vadd.f32 v15, v14  }
0x61: {  	s0 =	sadd.s32 $0x4, s0;
	v15 =	vld [tilespmem:s30+$0x50];
	v5 =	vadd.f32 v5, v13;
	v12 =	vand.u32 $0x7FFFFFFF, v12;
	v7 =	vsub.f32 v7, v2  }
0x62: {  	p0 =	slt.u32 s0, $0x7C;
	v13 =	vld [tilespmem:s30+$0xFFFFFF90];
	v8 =	vsub.f32 v8, v1;
	v9 =	vand.u32 $0x7FFFFFFF, v9  }
0x63: {  	v17 =	vld [tilespmem:s30+$0x60];
	v5 =	vadd.f32 v12, v5;
	v10 =	vsub.f32 v10, v1;
	v7 =	vand.u32 $0x7FFFFFFF, v7  }
0x64: {  	v6 =	vadd.f32 v9, v6;
	v12 =	vld [tilespmem:s30+$0xFFFFFFC0];
	v8 =	vand.u32 $0x7FFFFFFF, v8;
	v9 =	vsub.f32 v11, v1  }
0x65: {  	v7 =	vadd.f32 v7, v14;
	v11 =	vld [tilespmem:s30+$0x70];
	v5 =	vadd.f32 v8, v5;
	v8 =	vand.u32 $0x7FFFFFFF, v10  }
0x66: {  	v14 =	vsub.f32 v16, v3;
	v10 =	vld [tilespmem:s30+$0xFFFFFFD0];
	v15 =	vsub.f32 v15, v4;
	v9 =	vand.u32 $0x7FFFFFFF, v9  }
0x67: {  	v6 =	vadd.f32 v8, v6;
	v13 =	vsub.f32 v13, v4;
	v16 =	vld [tilespmem:s30+$0x0];
	[tilespmem:s29+$0xFFFFFFE0] =	vst v5  }
0x68: {  	v8 =	vand.u32 $0x7FFFFFFF, v14;
	v18 =	vld [tilespmem:s30+$0x10];
	v14 =	vand.u32 $0x7FFFFFFF, v15;
	v15 =	vsub.f32 v17, v2  }
0x69: {  	v17 =	vld [tilespmem:s30+$0xFFFFFF80];
	v5 =	vand.u32 $0x7FFFFFFF, v13;
	v12 =	vsub.f32 v12, v3;
	v8 =	vadd.f32 v14, v8;
	[tilespmem:s29+$0xFFFFFFF0] =	vst v6  }
0x6a: {  	v13 =	vadd.f32 v9, v7;
	v19 =	vld [tilespmem:s30+$0xFFFFFFA0];
	v6 =	vand.u32 $0x7FFFFFFF, v15;
	v11 =	vsub.f32 v11, v1  }
.Ltmp1:
0x6b: {  	v12 =	vand.u32 $0x7FFFFFFF, v12;
	v10 =	vsub.f32 v10, v4;
	v9 =	vld [tilespmem:s30+$0xFFFFFFE0];
	v6 =	vadd.f32 v6, v8;
	(pc) =	sbr.rel @p0 .LBB2_5-.Ltmp1, $4  }
0x6c: {  	v14 =	vsub.f32 v16, v3;
	v7 =	vld [tilespmem:s30+$0x20];
	v11 =	vand.u32 $0x7FFFFFFF, v11;
	[tilespmem:s29+$0x0] =	vst v13  }
0x6d: {  	v8 =	vld [tilespmem:s30+$0xFFFFFFB0];
	v10 =	vand.u32 $0x7FFFFFFF, v10;
	v15 =	vsub.f32 v18, v4;
	v16 =	vadd.f32 v11, v6  }
0x6e: {  	s29 =	sadd.s32 $0x40, s29;
	v13 =	vsub.f32 v17, v3;
	v6 =	vadd.f32 v10, v12;
	v10 =	vld [tilespmem:s30+$0xFFFFFFF0];
	v14 =	vand.u32 $0x7FFFFFFF, v14  }
0x6f: {  	v12 =	vsub.f32 v19, v2;
	v15 =	vand.u32 $0x7FFFFFFF, v15;
	v11 =	vld [tilespmem:s30+$0x30];
	[tilespmem:s29+$0x10] =	vst v16;
	s30 =	sadd.s32 $0x100, s30  }
0x70: {  	v3 =	vand.u32 $0x7FFFFFFF, v13  }
0x71: {  	v4 =	vsub.f32 v9, v2;
	v3 =	vadd.f32 v5, v3  }
0x72: {  	v9 =	vadd.f32 v15, v14;
	v2 =	vsub.f32 v7, v2;
	v5 =	vand.u32 $0x7FFFFFFF, v12  }
0x73: {  	v7 =	vsub.f32 v8, v1;
	v3 =	vadd.f32 v5, v3  }
0x74: {  	v5 =	vsub.f32 v10, v1;
	v2 =	vand.u32 $0x7FFFFFFF, v2;
	v1 =	vsub.f32 v11, v1  }
0x75: {  	v2 =	vadd.f32 v2, v9  }
0x76: {  	s30 =	simm.s32 $0x0;
	v4 =	vand.u32 $0x7FFFFFFF, v4;
	v1 =	vand.u32 $0x7FFFFFFF, v1  }
0x77: {  	v7 =	vand.u32 $0x7FFFFFFF, v7;
	v1 =	vadd.f32 v1, v2;
	v2 =	vmov s30  }
0x78: {  	v4 =	vadd.f32 v4, v6;
	v3 =	vadd.f32 v7, v3;
	v2 =	vshll.u32 v2, $0x4  }
0x79: {  	v5 =	vand.u32 $0x7FFFFFFF, v5;
	v2 =	vor.u32 v0, v2  }
0x7a: {  	v4 =	vadd.f32 v5, v4;
	[tilespmem:s29+$0xFFFFFFE0] =	vst v3;
	v3 =	vor.u32 $0x1, v2  }
0x7b: {  	v5 =	vor.u32 $0x2, v2  }
0x7c: {  	[tilespmem:s29+$0xFFFFFFF0] =	vst v4;
	v9 =	vor.u32 $0x3, v2  }
0x7d: {  	[tilespmem:s29+$0x0] =	vst v1;
	v11 =	vor.u32 $0x4, v2  }
0x7e: {  	v13 =	vor.u32 $0x5, v2;
	v8 =	vld.idx.msk [tilespmem:v2+s19+$0x0], $0xffff  }
0x7f: {  	v15 =	vor.u32 $0x6, v2;
	v3 =	vld.idx.msk [tilespmem:v3+s19+$0x0], $0xffff  }
0x80: {  	v17 =	vor.u32 $0x7, v2;
	v5 =	vld.idx.msk [tilespmem:v5+s19+$0x0], $0xffff  }
0x81: {  	v19 =	vor.u32 $0x8, v2;
	v9 =	vld.idx.msk [tilespmem:v9+s19+$0x0], $0xffff  }
0x82: {  	s0 =	simm.s32 $0x10;
	v21 =	vor.u32 $0x9, v2;
	v11 =	vld.idx.msk [tilespmem:v11+s19+$0x0], $0xffff  }
0x83: {  	v1 =	vmov s0;
	v23 =	vor.u32 $0xA, v2;
	v13 =	vld.idx.msk [tilespmem:v13+s19+$0x0], $0xffff  }
0x84: {  	v1 =	vshll.u32 v1, $0x4;
	v29 =	vor.u32 $0xD, v2;
	v15 =	vld.idx.msk [tilespmem:v15+s19+$0x0], $0xffff  }
0x85: {  	v1 =	vor.u32 v0, v1;
	v17 =	vld.idx.msk [tilespmem:v17+s19+$0x0], $0xffff  }
0x86: {  	v4 =	vor.u32 $0x1, v1;
	v19 =	vld.idx.msk [tilespmem:v19+s19+$0x0], $0xffff  }
0x87: {  	v6 =	vor.u32 $0x2, v1;
	v21 =	vld.idx.msk [tilespmem:v21+s19+$0x0], $0xffff  }
0x88: {  	v10 =	vor.u32 $0x3, v1;
	v23 =	vld.idx.msk [tilespmem:v23+s19+$0x0], $0xffff  }
0x89: {  	v12 =	vor.u32 $0x4, v1;
	v44 =	vld.idx.msk [tilespmem:v29+s19+$0x0], $0xffff  }
0x8a: {  	v14 =	vor.u32 $0x5, v1;
	v7 =	vld.idx.msk [tilespmem:v1+s19+$0x0], $0xffff  }
0x8b: {  	v16 =	vor.u32 $0x6, v1;
	v4 =	vld.idx.msk [tilespmem:v4+s19+$0x0], $0xffff  }
0x8c: {  	v18 =	vor.u32 $0x7, v1;
	v6 =	vld.idx.msk [tilespmem:v6+s19+$0x0], $0xffff  }
0x8d: {  	v20 =	vor.u32 $0x8, v1;
	v10 =	vld.idx.msk [tilespmem:v10+s19+$0x0], $0xffff  }
0x8e: {  	v22 =	vor.u32 $0x9, v1;
	v12 =	vld.idx.msk [tilespmem:v12+s19+$0x0], $0xffff  }
0x8f: {  	v24 =	vor.u32 $0xA, v1;
	v14 =	vld.idx.msk [tilespmem:v14+s19+$0x0], $0xffff  }
0x90: {  	v26 =	vor.u32 $0xB, v1;
	v16 =	vld.idx.msk [tilespmem:v16+s19+$0x0], $0xffff  }
0x91: {  	v25 =	vor.u32 $0xB, v2;
	v18 =	vld.idx.msk [tilespmem:v18+s19+$0x0], $0xffff  }
0x92: {  	v27 =	vor.u32 $0xC, v2;
	v20 =	vld.idx.msk [tilespmem:v20+s19+$0x0], $0xffff  }
0x93: {  	v28 =	vor.u32 $0xC, v1;
	v22 =	vld.idx.msk [tilespmem:v22+s19+$0x0], $0xffff;
	v3 =	vadd.f32 v3, v8  }
0x94: {  	v30 =	vor.u32 $0xD, v1;
	v43 =	vor.u32 $0xE, v1;
	v24 =	vld.idx.msk [tilespmem:v24+s19+$0x0], $0xffff  }
0x95: {  	s1 =	simm.s32 $0x30;
	v31 =	vor.u32 $0xF, v1;
	v42 =	vld.idx.msk [tilespmem:v26+s19+$0x0], $0xffff;
	v4 =	vadd.f32 v4, v7;
	v1 =	vadd.f32 v5, v3  }
0x96: {  	v8 =	vld.idx.msk [tilespmem:v25+s19+$0x0], $0xffff;
	v7 =	vor.u32 $0xE, v2;
	v5 =	vmov s1;
	v2 =	vor.u32 $0xF, v2  }
0x97: {  	s30 =	simm.s32 $0x20;
	v3 =	vld.idx.msk [tilespmem:v27+s19+$0x0], $0xffff;
	v5 =	vshll.u32 v5, $0x4;
	v4 =	vadd.f32 v6, v4;
	v9 =	vadd.f32 v9, v1  }
0x98: {  	v6 =	vld.idx.msk [tilespmem:v28+s19+$0x0], $0xffff;
	v1 =	vmov s30;
	v45 =	vor.u32 v0, v5  }
0x99: {  	v5 =	vld.idx.msk [tilespmem:v30+s19+$0x0], $0xffff;
	v1 =	vshll.u32 v1, $0x4;
	v4 =	vadd.f32 v10, v4;
	v9 =	vadd.f32 v11, v9  }
0x9a: {  	v1 =	vor.u32 v0, v1;
	v11 =	vld.idx.msk [tilespmem:v43+s19+$0x0], $0xffff  }
0x9b: {  	v7 =	vld.idx.msk [tilespmem:v7+s19+$0x0], $0xffff;
	v10 =	vor.u32 $0x1, v1;
	v4 =	vadd.f32 v12, v4;
	v9 =	vadd.f32 v13, v9  }
0x9c: {  	v2 =	vld.idx.msk [tilespmem:v2+s19+$0x0], $0xffff;
	v12 =	vor.u32 $0x1, v45  }
0x9d: {  	v46 =	vor.u32 $0x2, v45;
	v47 =	vld.idx.msk [tilespmem:v45+s19+$0x0], $0xffff;
	v4 =	vadd.f32 v14, v4;
	v9 =	vadd.f32 v15, v9  }
0x9e: {  	v13 =	vor.u32 $0x2, v1;
	v14 =	vld.idx.msk [tilespmem:v31+s19+$0x0], $0xffff  }
0x9f: {  	v48 =	vor.u32 $0x3, v45;
	v15 =	vld.idx.msk [tilespmem:v1+s19+$0x0], $0xffff;
	v4 =	vadd.f32 v16, v4;
	v9 =	vadd.f32 v17, v9  }
0xa0: {  	v16 =	vor.u32 $0x3, v1;
	v10 =	vld.idx.msk [tilespmem:v10+s19+$0x0], $0xffff  }
0xa1: {  	v49 =	vor.u32 $0x4, v45;
	v12 =	vld.idx.msk [tilespmem:v12+s19+$0x0], $0xffff;
	v4 =	vadd.f32 v18, v4;
	v9 =	vadd.f32 v19, v9  }
0xa2: {  	v51 =	vld.idx.msk [tilespmem:v46+s19+$0x0], $0xffff;
	v17 =	vor.u32 $0x4, v1  }
0xa3: {  	v52 =	vor.u32 $0x5, v45;
	v13 =	vld.idx.msk [tilespmem:v13+s19+$0x0], $0xffff;
	v4 =	vadd.f32 v20, v4;
	v9 =	vadd.f32 v21, v9  }
0xa4: {  	v50 =	vor.u32 $0x5, v1;
	v54 =	vld.idx.msk [tilespmem:v48+s19+$0x0], $0xffff  }
0xa5: {  	v58 =	vor.u32 $0x8, v45;
	v16 =	vld.idx.msk [tilespmem:v16+s19+$0x0], $0xffff;
	v4 =	vadd.f32 v22, v4;
	v9 =	vadd.f32 v23, v9  }
0xa6: {  	v53 =	vor.u32 $0x6, v1;
	v18 =	vld.idx.msk [tilespmem:v49+s19+$0x0], $0xffff;
	v10 =	vadd.f32 v10, v15;
	v12 =	vadd.f32 v12, v47  }
0xa7: {  	v55 =	vor.u32 $0x6, v45;
	v15 =	vld.idx.msk [tilespmem:v17+s19+$0x0], $0xffff;
	v4 =	vadd.f32 v24, v4;
	v8 =	vadd.f32 v8, v9  }
0xa8: {  	v57 =	vld.idx.msk [tilespmem:v52+s19+$0x0], $0xffff;
	v17 =	vor.u32 $0x7, v1;
	v10 =	vadd.f32 v13, v10;
	v12 =	vadd.f32 v51, v12  }
0xa9: {  	v56 =	vor.u32 $0x7, v45;
	v13 =	vld.idx.msk [tilespmem:v50+s19+$0x0], $0xffff;
	v4 =	vadd.f32 v42, v4;
	v3 =	vadd.f32 v3, v8  }
0xaa: {  	v61 =	vld.idx.msk [tilespmem:v58+s19+$0x0], $0xffff;
	v9 =	vor.u32 $0x8, v1;
	v10 =	vadd.f32 v16, v10;
	v12 =	vadd.f32 v54, v12  }
0xab: {  	v59 =	vor.u32 $0x9, v45;
	v16 =	vld.idx.msk [tilespmem:v53+s19+$0x0], $0xffff;
	v4 =	vadd.f32 v6, v4;
	v3 =	vadd.f32 v44, v3  }
0xac: {  	v8 =	vld.idx.msk [tilespmem:v55+s19+$0x0], $0xffff;
	v6 =	vor.u32 $0x9, v1;
	v10 =	vadd.f32 v15, v10;
	v12 =	vadd.f32 v18, v12  }
0xad: {  	v15 =	vld.idx.msk [tilespmem:v17+s19+$0x0], $0xffff;
	v4 =	vadd.f32 v5, v4;
	v5 =	vor.u32 $0xA, v1;
	v3 =	vadd.f32 v7, v3  }
0xae: {  	v60 =	vor.u32 $0xA, v45;
	v17 =	vld.idx.msk [tilespmem:v56+s19+$0x0], $0xffff;
	v10 =	vadd.f32 v13, v10  }
0xaf: {  	v62 =	vor.u32 $0xB, v45;
	v9 =	vld.idx.msk [tilespmem:v9+s19+$0x0], $0xffff;
	v7 =	vadd.f32 v57, v12;
	v2 =	vadd.f32 v2, v3  }
0xb0: {  	v4 =	vadd.f32 v11, v4;
	v11 =	vor.u32 $0xB, v1;
	v12 =	vadd.f32 v16, v10;
	v10 =	vld.idx.msk [tilespmem:v59+s19+$0x0], $0xffff  }
0xb1: {  	v63 =	vor.u32 $0xC, v1;
	v16 =	vld.idx.msk [tilespmem:v6+s19+$0x0], $0xffff;
	v6 =	vadd.f32 v8, v7;
	v13 =	vsub.f32 $1.200000000e+01, v2  }
0xb2: {  	v3 =	vadd.f32 v14, v4;
	v12 =	vadd.f32 v15, v12;
	v7 =	vld.idx.msk [tilespmem:v5+s19+$0x0], $0xffff;
	v5 =	vor.u32 $0xC, v45  }
0xb3: {  	v8 =	vld.idx.msk [tilespmem:v60+s19+$0x0], $0xffff;
	v15 =	vadd.f32 v17, v6;
	[tilespmem:s25+$0xFFFFFFF0] =	vst v13;
	v13 =	vor.u32 $0xD, v1  }
0xb4: {  	v4 =	vor.u32 $0xD, v45;
	v6 =	vld.idx.msk [tilespmem:v62+s19+$0x0], $0xffff;
	v14 =	vsub.f32 $1.200000000e+01, v3;
	v17 =	vadd.f32 v9, v12  }
0xb5: {  	s31 =	simm.s32 $0x2;
	v12 =	vor.u32 $0xE, v1;
	v9 =	vld.idx.msk [tilespmem:v11+s19+$0x0], $0xffff;
	v15 =	vadd.f32 v61, v15  }
0xb6: {  	s29 =	sshll.u32 s24, $0xA;
	s0 =	simm.s32 $0x50;
	s30 =	smov.u32 s25;
	v2 =	vor.u32 $0xF, v45;
	v3 =	vor.u32 $0xE, v45;
	v11 =	vld.idx.msk [tilespmem:v63+s19+$0x0], $0xffff;
	[tilespmem:s25+$0x0] =	vst v14;
	v14 =	vadd.f32 v16, v17  }
.LBB2_7:
0xb7: {  	s1 =	sadd.s32 $0xFFFFFFF0, s0;
	v16 =	vmov s0;
	s31 =	sadd.s32 $0x2, s31;
	v17 =	vor.u32 $0xF, v1;
	v1 =	vadd.f32 v10, v15;
	v10 =	vld.idx.msk [tilespmem:v5+s19+$0x0], $0xffff  }
0xb8: {  	v5 =	vmov s1;
	v15 =	vshll.u32 v16, $0x4;
	p0 =	slt.u32 s31, $0x6;
	v7 =	vadd.f32 v7, v14;
	v13 =	vld.idx.msk [tilespmem:v13+s19+$0x0], $0xffff  }
0xb9: {  	v5 =	vshll.u32 v5, $0x4;
	v14 =	vor.u32 v0, v15;
	v8 =	vadd.f32 v8, v1;
	v15 =	vld.idx.msk [tilespmem:v4+s19+$0x0], $0xffff  }
0xba: {  	v1 =	vor.u32 v0, v5;
	v16 =	vor.u32 $0x1, v14;
	v4 =	vadd.f32 v9, v7;
	v7 =	vld.idx.msk [tilespmem:v12+s19+$0x0], $0xffff  }
0xbb: {  	v9 =	vor.u32 $0x2, v14;
	v12 =	vor.u32 $0x3, v14;
	v5 =	vor.u32 $0x1, v1;
	v18 =	vld.idx.msk [tilespmem:v3+s19+$0x0], $0xffff  }
0xbc: {  	v19 =	vor.u32 $0x4, v14;
	v20 =	vor.u32 $0x5, v14;
	v3 =	vadd.f32 v11, v4;
	v11 =	vld.idx.msk [tilespmem:v17+s19+$0x0], $0xffff  }
0xbd: {  	v21 =	vor.u32 $0x6, v14;
	v22 =	vor.u32 $0x7, v14;
	v17 =	vor.u32 $0x2, v1;
	v23 =	vld.idx.msk [tilespmem:v2+s19+$0x0], $0xffff  }
0xbe: {  	v25 =	vor.u32 $0x8, v14;
	v26 =	vor.u32 $0x9, v14;
	v24 =	vld.idx.msk [tilespmem:v14+s19+$0x0], $0xffff;
	v2 =	vadd.f32 v13, v3  }
0xbf: {  	v28 =	vor.u32 $0xA, v14;
	v29 =	vor.u32 $0xB, v14;
	v27 =	vor.u32 $0x3, v1;
	v13 =	vld.idx.msk [tilespmem:v1+s19+$0x0], $0xffff  }
0xc0: {  	v4 =	vor.u32 $0xD, v14;
	v30 =	vld.idx.msk [tilespmem:v5+s19+$0x0], $0xffff;
	v5 =	vor.u32 $0xC, v14;
	v7 =	vadd.f32 v7, v2  }
0xc1: {  	v31 =	vor.u32 $0x4, v1;
	v6 =	vadd.f32 v6, v8;
	v3 =	vor.u32 $0xE, v14;
	v16 =	vld.idx.msk [tilespmem:v16+s19+$0x0], $0xffff  }
0xc2: {  	v2 =	vor.u32 $0xF, v14;
	v8 =	vld.idx.msk [tilespmem:v17+s19+$0x0], $0xffff;
	v7 =	vadd.f32 v11, v7  }
0xc3: {  	v6 =	vadd.f32 v10, v6;
	v11 =	vor.u32 $0x5, v1;
	v9 =	vld.idx.msk [tilespmem:v9+s19+$0x0], $0xffff  }
0xc4: {  	v10 =	vld.idx.msk [tilespmem:v27+s19+$0x0], $0xffff;
	v7 =	vsub.f32 $1.200000000e+01, v7  }
0xc5: {  	s30 =	sadd.s32 $0x20, s30;
	v6 =	vadd.f32 v15, v6;
	v14 =	vor.u32 $0x6, v1;
	v12 =	vld.idx.msk [tilespmem:v12+s19+$0x0], $0xffff  }
0xc6: {  	v13 =	vadd.f32 v30, v13;
	v15 =	vld.idx.msk [tilespmem:v31+s19+$0x0], $0xffff;
	[tilespmem:s30+$0xFFFFFFF0] =	vst v7  }
0xc7: {  	v6 =	vadd.f32 v18, v6;
	v7 =	vor.u32 $0x7, v1;
	v16 =	vadd.f32 v16, v24;
	v17 =	vld.idx.msk [tilespmem:v19+s19+$0x0], $0xffff  }
0xc8: {  	v8 =	vadd.f32 v8, v13;
	v11 =	vld.idx.msk [tilespmem:v11+s19+$0x0], $0xffff  }
0xc9: {  	v6 =	vadd.f32 v23, v6;
	v13 =	vor.u32 $0x8, v1;
	v9 =	vadd.f32 v9, v16;
	v16 =	vld.idx.msk [tilespmem:v20+s19+$0x0], $0xffff  }
0xca: {  	v8 =	vadd.f32 v10, v8;
	v10 =	vld.idx.msk [tilespmem:v14+s19+$0x0], $0xffff  }
0xcb: {  	v6 =	vsub.f32 $1.200000000e+01, v6;
	v14 =	vor.u32 $0x9, v1;
	v9 =	vadd.f32 v12, v9;
	v12 =	vld.idx.msk [tilespmem:v21+s19+$0x0], $0xffff  }
0xcc: {  	v8 =	vadd.f32 v15, v8;
	v7 =	vld.idx.msk [tilespmem:v7+s19+$0x0], $0xffff  }
0xcd: {  	v15 =	vor.u32 $0xA, v1;
	v9 =	vadd.f32 v17, v9;
	v17 =	vld.idx.msk [tilespmem:v22+s19+$0x0], $0xffff;
	[tilespmem:s30+$0x0] =	vst v6  }
0xce: {  	v6 =	vadd.f32 v11, v8;
	v11 =	vld.idx.msk [tilespmem:v13+s19+$0x0], $0xffff  }
0xcf: {  	v18 =	vor.u32 $0xB, v1;
	v8 =	vadd.f32 v16, v9;
	v16 =	vld.idx.msk [tilespmem:v25+s19+$0x0], $0xffff  }
0xd0: {  	v6 =	vadd.f32 v10, v6;
	v14 =	vld.idx.msk [tilespmem:v14+s19+$0x0], $0xffff  }
0xd1: {  	v19 =	vor.u32 $0xC, v1;
	v8 =	vadd.f32 v12, v8;
	v10 =	vld.idx.msk [tilespmem:v26+s19+$0x0], $0xffff  }
.Ltmp2:
0xd2: {  	v6 =	vadd.f32 v7, v6;
	v7 =	vld.idx.msk [tilespmem:v15+s19+$0x0], $0xffff;
	(pc) =	sbr.rel @p0 .LBB2_7-.Ltmp2, $4  }
0xd3: {  	v13 =	vor.u32 $0xD, v1;
	v15 =	vadd.f32 v17, v8;
	v8 =	vld.idx.msk [tilespmem:v28+s19+$0x0], $0xffff  }
0xd4: {  	v11 =	vadd.f32 v11, v6;
	v9 =	vld.idx.msk [tilespmem:v18+s19+$0x0], $0xffff  }
0xd5: {  	v12 =	vor.u32 $0xE, v1;
	v15 =	vadd.f32 v16, v15;
	v6 =	vld.idx.msk [tilespmem:v29+s19+$0x0], $0xffff  }
0xd6: {  	s0 =	sadd.s32 $0x20, s0;
	v14 =	vadd.f32 v14, v11;
	v11 =	vld.idx.msk [tilespmem:v19+s19+$0x0], $0xffff  }
0xd7: {  	_ =	sdelay $0x2  }
0xd8: {  	v10 =	vadd.f32 v10, v15  }
0xd9: {  	v1 =	vor.u32 $0xF, v1;
	v5 =	vld.idx.msk [tilespmem:v5+s19+$0x0], $0xffff;
	v7 =	vadd.f32 v7, v14  }
0xda: {  	v13 =	vld.idx.msk [tilespmem:v13+s19+$0x0], $0xffff;
	v8 =	vadd.f32 v8, v10  }
0xdb: {  	v4 =	vld.idx.msk [tilespmem:v4+s19+$0x0], $0xffff;
	v7 =	vadd.f32 v9, v7  }
0xdc: {  	v9 =	vld.idx.msk [tilespmem:v12+s19+$0x0], $0xffff;
	v6 =	vadd.f32 v6, v8  }
0xdd: {  	v3 =	vld.idx.msk [tilespmem:v3+s19+$0x0], $0xffff;
	v7 =	vadd.f32 v11, v7  }
0xde: {  	v1 =	vld.idx.msk [tilespmem:v1+s19+$0x0], $0xffff;
	v5 =	vadd.f32 v5, v6  }
0xdf: {  	v2 =	vld.idx.msk [tilespmem:v2+s19+$0x0], $0xffff;
	v6 =	vadd.f32 v13, v7  }
0xe0: {  	v4 =	vadd.f32 v4, v5  }
0xe1: {  	v5 =	vadd.f32 v9, v6  }
0xe2: {  	v3 =	vadd.f32 v3, v4  }
0xe3: {  	v1 =	vadd.f32 v1, v5  }
0xe4: {  	v2 =	vadd.f32 v2, v3  }
0xe5: {  	v1 =	vsub.f32 $1.200000000e+01, v1  }
0xe6: {  	s0 =	sadd.s32 $0x20, s30;
	v2 =	vsub.f32 $1.200000000e+01, v2  }
0xe7: {  	s1 =	sshrl.u32 s29, $0x2;
	[tilespmem:s0+$0xFFFFFFF0] =	vst v1  }
0xe8: {  	s1 =	sadd.s32 $0x6200, s1;
	[tilespmem:s0+$0x0] =	vst v2  }
0xe9: {  	[tilespmem:s16], [sflag:$0x2] =	stream.indirect.gather [hbm4b:s3+s11], $0x40, s1, s11, $0xb8;
	[tilespmem:$0x12900] =	vst v63  }
0xea: {  	_ =	swait.ge [sflag:s20], $0x2000  }
0xeb: {  	s30 =	sshll.u32 s28, $0x6;
	[sflag:s20] =	ssyncset.done $0x0  }
0xec: {  	s0 =	sand.u32 $0x3FFFFFC0, s30;
	[sflag:s20] =	ssyncadd.s32 $0xFFFFE000  }
0xed: {  	v3 =	vld [tilespmem:s0+$0x4100]  }
0xee: {  	v4 =	vld [tilespmem:s0+$0x4110]  }
0xef: {  	v2 =	vld [tilespmem:s0+$0x4120]  }
0xf0: {  	s31 =	simm.s32 $0xC180;
	v1 =	vld [tilespmem:s0+$0x4130]  }
0xf1: {  	v5 =	vld [tilespmem:s31+$0x40]  }
0xf2: {  	v6 =	vld [tilespmem:s31+$0x50]  }
0xf3: {  	v7 =	vld [tilespmem:s31+$0xFFFFFF90]  }
0xf4: {  	v8 =	vld [tilespmem:s31+$0x60]  }
0xf5: {  	v9 =	vld [tilespmem:s31+$0xFFFFFFC0]  }
0xf6: {  	v10 =	vld [tilespmem:s31+$0x70]  }
0xf7: {  	v13 =	vld [tilespmem:s31+$0x10]  }
0xf8: {  	v11 =	vld [tilespmem:s31+$0xFFFFFFD0]  }
0xf9: {  	v12 =	vld [tilespmem:s31+$0x0];
	v5 =	vsub.f32 v5, v3;
	v6 =	vsub.f32 v6, v4  }
0xfa: {  	v16 =	vld [tilespmem:s31+$0xFFFFFFA0];
	v8 =	vsub.f32 v8, v2  }
0xfb: {  	v14 =	vsub.f32 v7, v4;
	v5 =	vand.u32 $0x7FFFFFFF, v5;
	v6 =	vand.u32 $0x7FFFFFFF, v6  }
0xfc: {  	v15 =	vld [tilespmem:s31+$0xFFFFFF80];
	v17 =	vsub.f32 v13, v4;
	v5 =	vadd.f32 v6, v5  }
0xfd: {  	v7 =	vand.u32 $0x7FFFFFFF, v8;
	v8 =	vsub.f32 v10, v1;
	v10 =	vsub.f32 v11, v4  }
0xfe: {  	v6 =	vsub.f32 v9, v3;
	v9 =	vld [tilespmem:s31+$0xFFFFFFE0];
	v5 =	vadd.f32 v7, v5  }
0xff: {  	v13 =	vsub.f32 v16, v2;
	v11 =	vsub.f32 v12, v3;
	v12 =	vand.u32 $0x7FFFFFFF, v8;
	v7 =	vld [tilespmem:s31+$0x20]  }
0x100: {  	v8 =	vld [tilespmem:s31+$0xFFFFFFB0];
	v10 =	vand.u32 $0x7FFFFFFF, v10;
	v6 =	vand.u32 $0x7FFFFFFF, v6;
	v18 =	vadd.f32 v12, v5  }
0x101: {  	s0 =	simm.s32 $0xE120;
	v6 =	vadd.f32 v10, v6;
	v10 =	vld [tilespmem:s31+$0xFFFFFFF0];
	v12 =	vsub.f32 v15, v3  }
0x102: {  	s28 =	simm.s32 $0x0;
	s29 =	simm.s32 $0xC280;
	v5 =	vand.u32 $0x7FFFFFFF, v14;
	v14 =	vand.u32 $0x7FFFFFFF, v11;
	v15 =	vand.u32 $0x7FFFFFFF, v17;
	v11 =	vld [tilespmem:s31+$0x30];
	[tilespmem:s0+$0x10] =	vst v18  }
.LBB2_9:
0x103: {  	v16 =	vld [tilespmem:s29+$0x40];
	v12 =	vand.u32 $0x7FFFFFFF, v12;
	v9 =	vsub.f32 v9, v2;
	v14 =	vadd.f32 v15, v14  }
0x104: {  	s28 =	sadd.s32 $0x4, s28;
	v15 =	vld [tilespmem:s29+$0x50];
	v5 =	vadd.f32 v5, v12;
	v12 =	vand.u32 $0x7FFFFFFF, v13;
	v7 =	vsub.f32 v7, v2  }
0x105: {  	p0 =	slt.u32 s28, $0x7C;
	v13 =	vld [tilespmem:s29+$0xFFFFFF90];
	v8 =	vsub.f32 v8, v1;
	v9 =	vand.u32 $0x7FFFFFFF, v9  }
0x106: {  	v17 =	vld [tilespmem:s29+$0x60];
	v5 =	vadd.f32 v12, v5;
	v10 =	vsub.f32 v10, v1;
	v7 =	vand.u32 $0x7FFFFFFF, v7  }
0x107: {  	v6 =	vadd.f32 v9, v6;
	v12 =	vld [tilespmem:s29+$0xFFFFFFC0];
	v8 =	vand.u32 $0x7FFFFFFF, v8;
	v9 =	vsub.f32 v11, v1  }
0x108: {  	v7 =	vadd.f32 v7, v14;
	v11 =	vld [tilespmem:s29+$0x70];
	v5 =	vadd.f32 v8, v5;
	v8 =	vand.u32 $0x7FFFFFFF, v10  }
0x109: {  	v14 =	vsub.f32 v16, v3;
	v10 =	vld [tilespmem:s29+$0xFFFFFFD0];
	v15 =	vsub.f32 v15, v4;
	v9 =	vand.u32 $0x7FFFFFFF, v9  }
0x10a: {  	v6 =	vadd.f32 v8, v6;
	v13 =	vsub.f32 v13, v4;
	v16 =	vld [tilespmem:s29+$0x0];
	[tilespmem:s0+$0xFFFFFFE0] =	vst v5  }
0x10b: {  	v8 =	vand.u32 $0x7FFFFFFF, v14;
	v18 =	vld [tilespmem:s29+$0x10];
	v14 =	vand.u32 $0x7FFFFFFF, v15;
	v15 =	vsub.f32 v17, v2  }
0x10c: {  	v17 =	vld [tilespmem:s29+$0xFFFFFF80];
	v5 =	vand.u32 $0x7FFFFFFF, v13;
	v12 =	vsub.f32 v12, v3;
	v8 =	vadd.f32 v14, v8;
	[tilespmem:s0+$0xFFFFFFF0] =	vst v6  }
0x10d: {  	v14 =	vadd.f32 v9, v7;
	v13 =	vld [tilespmem:s29+$0xFFFFFFA0];
	v6 =	vand.u32 $0x7FFFFFFF, v15;
	v11 =	vsub.f32 v11, v1  }
.Ltmp3:
0x10e: {  	v15 =	vand.u32 $0x7FFFFFFF, v12;
	v10 =	vsub.f32 v10, v4;
	v9 =	vld [tilespmem:s29+$0xFFFFFFE0];
	v6 =	vadd.f32 v6, v8;
	(pc) =	sbr.rel @p0 .LBB2_9-.Ltmp3, $4  }
0x10f: {  	v16 =	vsub.f32 v16, v3;
	v7 =	vld [tilespmem:s29+$0x20];
	v11 =	vand.u32 $0x7FFFFFFF, v11;
	[tilespmem:s0+$0x0] =	vst v14  }
0x110: {  	v8 =	vld [tilespmem:s29+$0xFFFFFFB0];
	v10 =	vand.u32 $0x7FFFFFFF, v10;
	v18 =	vsub.f32 v18, v4;
	v19 =	vadd.f32 v11, v6  }
0x111: {  	s0 =	sadd.s32 $0x40, s0;
	v12 =	vsub.f32 v17, v3;
	v6 =	vadd.f32 v10, v15;
	v10 =	vld [tilespmem:s29+$0xFFFFFFF0];
	v14 =	vand.u32 $0x7FFFFFFF, v16  }
0x112: {  	s30 =	simm.s32 $0x10;
	v13 =	vsub.f32 v13, v2;
	v15 =	vand.u32 $0x7FFFFFFF, v18;
	v11 =	vld [tilespmem:s29+$0x30];
	[tilespmem:s0+$0x10] =	vst v19;
	s29 =	sadd.s32 $0x100, s29  }
0x113: {  	v3 =	vand.u32 $0x7FFFFFFF, v12;
	v4 =	vsub.f32 v9, v2;
	v9 =	vadd.f32 v15, v14  }
0x114: {  	v3 =	vadd.f32 v5, v3;
	v2 =	vsub.f32 v7, v2  }
0x115: {  	v5 =	vand.u32 $0x7FFFFFFF, v13;
	v7 =	vsub.f32 v8, v1;
	v4 =	vand.u32 $0x7FFFFFFF, v4  }
0x116: {  	v3 =	vadd.f32 v5, v3;
	v5 =	vsub.f32 v10, v1;
	v2 =	vand.u32 $0x7FFFFFFF, v2  }
0x117: {  	v4 =	vadd.f32 v4, v6;
	v6 =	vmov s30;
	v7 =	vand.u32 $0x7FFFFFFF, v7  }
0x118: {  	v1 =	vsub.f32 v11, v1;
	v6 =	vshll.u32 v6, $0x4;
	v2 =	vadd.f32 v2, v9  }
0x119: {  	v3 =	vadd.f32 v7, v3;
	v5 =	vand.u32 $0x7FFFFFFF, v5;
	v6 =	vor.u32 v0, v6  }
0x11a: {  	v1 =	vand.u32 $0x7FFFFFFF, v1;
	v4 =	vadd.f32 v5, v4;
	v10 =	vor.u32 $0x3, v6  }
0x11b: {  	s1 =	simm.s32 $0x0;
	v12 =	vor.u32 $0x4, v6;
	[tilespmem:s0+$0xFFFFFFE0] =	vst v3;
	v1 =	vadd.f32 v1, v2  }
0x11c: {  	v7 =	vmov s1;
	v14 =	vor.u32 $0x5, v6;
	[tilespmem:s0+$0xFFFFFFF0] =	vst v4  }
0x11d: {  	v7 =	vshll.u32 v7, $0x4;
	v16 =	vor.u32 $0x6, v6;
	[tilespmem:s0+$0x0] =	vst v1  }
0x11e: {  	v18 =	vor.u32 $0x7, v6;
	v5 =	vor.u32 v0, v7;
	v7 =	vld.idx.msk [tilespmem:v6+s19+$0x0], $0xffff  }
0x11f: {  	v20 =	vor.u32 $0x8, v6;
	v10 =	vld.idx.msk [tilespmem:v10+s19+$0x0], $0xffff  }
0x120: {  	v22 =	vor.u32 $0x9, v6;
	v12 =	vld.idx.msk [tilespmem:v12+s19+$0x0], $0xffff  }
0x121: {  	v24 =	vor.u32 $0xA, v6;
	v14 =	vld.idx.msk [tilespmem:v14+s19+$0x0], $0xffff  }
0x122: {  	v26 =	vor.u32 $0xB, v6;
	v16 =	vld.idx.msk [tilespmem:v16+s19+$0x0], $0xffff  }
0x123: {  	v28 =	vor.u32 $0xC, v6;
	v18 =	vld.idx.msk [tilespmem:v18+s19+$0x0], $0xffff  }
0x124: {  	v20 =	vld.idx.msk [tilespmem:v20+s19+$0x0], $0xffff  }
0x125: {  	v3 =	vor.u32 $0x1, v6;
	v22 =	vld.idx.msk [tilespmem:v22+s19+$0x0], $0xffff  }
0x126: {  	v2 =	vor.u32 $0x1, v5;
	v24 =	vld.idx.msk [tilespmem:v24+s19+$0x0], $0xffff  }
0x127: {  	v4 =	vor.u32 $0x2, v6;
	v43 =	vld.idx.msk [tilespmem:v26+s19+$0x0], $0xffff  }
0x128: {  	v9 =	vor.u32 $0x3, v5;
	v45 =	vld.idx.msk [tilespmem:v28+s19+$0x0], $0xffff  }
0x129: {  	v11 =	vor.u32 $0x4, v5;
	v8 =	vld.idx.msk [tilespmem:v5+s19+$0x0], $0xffff  }
0x12a: {  	v13 =	vor.u32 $0x5, v5;
	v3 =	vld.idx.msk [tilespmem:v3+s19+$0x0], $0xffff  }
0x12b: {  	v1 =	vor.u32 $0x2, v5;
	v2 =	vld.idx.msk [tilespmem:v2+s19+$0x0], $0xffff  }
0x12c: {  	v15 =	vor.u32 $0x6, v5;
	v4 =	vld.idx.msk [tilespmem:v4+s19+$0x0], $0xffff  }
0x12d: {  	v17 =	vor.u32 $0x7, v5;
	v9 =	vld.idx.msk [tilespmem:v9+s19+$0x0], $0xffff  }
0x12e: {  	v19 =	vor.u32 $0x8, v5;
	v11 =	vld.idx.msk [tilespmem:v11+s19+$0x0], $0xffff  }
0x12f: {  	v21 =	vor.u32 $0x9, v5;
	v13 =	vld.idx.msk [tilespmem:v13+s19+$0x0], $0xffff  }
0x130: {  	v23 =	vor.u32 $0xA, v5;
	v1 =	vld.idx.msk [tilespmem:v1+s19+$0x0], $0xffff  }
0x131: {  	v29 =	vor.u32 $0xD, v5;
	v15 =	vld.idx.msk [tilespmem:v15+s19+$0x0], $0xffff  }
0x132: {  	v30 =	vor.u32 $0xD, v6;
	v44 =	vor.u32 $0xE, v6;
	v6 =	vor.u32 $0xF, v6;
	v17 =	vld.idx.msk [tilespmem:v17+s19+$0x0], $0xffff  }
0x133: {  	v25 =	vor.u32 $0xB, v5;
	v19 =	vld.idx.msk [tilespmem:v19+s19+$0x0], $0xffff;
	v2 =	vadd.f32 v2, v8  }
0x134: {  	v27 =	vor.u32 $0xC, v5;
	v21 =	vld.idx.msk [tilespmem:v21+s19+$0x0], $0xffff;
	v3 =	vadd.f32 v3, v7  }
0x135: {  	v23 =	vld.idx.msk [tilespmem:v23+s19+$0x0], $0xffff;
	v1 =	vadd.f32 v1, v2  }
0x136: {  	s30 =	simm.s32 $0x30;
	v46 =	vld.idx.msk [tilespmem:v29+s19+$0x0], $0xffff;
	v7 =	vor.u32 $0xE, v5;
	v3 =	vadd.f32 v4, v3  }
0x137: {  	v6 =	vld.idx.msk [tilespmem:v6+s19+$0x0], $0xffff;
	v5 =	vor.u32 $0xF, v5;
	v4 =	vmov s30;
	v9 =	vadd.f32 v9, v1  }
0x138: {  	s31 =	simm.s32 $0x20;
	v8 =	vld.idx.msk [tilespmem:v25+s19+$0x0], $0xffff;
	v4 =	vshll.u32 v4, $0x4;
	v3 =	vadd.f32 v10, v3  }
0x139: {  	v2 =	vld.idx.msk [tilespmem:v27+s19+$0x0], $0xffff;
	v47 =	vor.u32 v0, v4;
	v1 =	vmov s31;
	v9 =	vadd.f32 v11, v9  }
0x13a: {  	v4 =	vld.idx.msk [tilespmem:v30+s19+$0x0], $0xffff;
	v49 =	vor.u32 $0x3, v47;
	v1 =	vshll.u32 v1, $0x4;
	v3 =	vadd.f32 v12, v3  }
0x13b: {  	v7 =	vld.idx.msk [tilespmem:v7+s19+$0x0], $0xffff;
	v1 =	vor.u32 v0, v1;
	v9 =	vadd.f32 v13, v9  }
0x13c: {  	v5 =	vld.idx.msk [tilespmem:v5+s19+$0x0], $0xffff;
	v10 =	vor.u32 $0x1, v1;
	v3 =	vadd.f32 v14, v3  }
0x13d: {  	v12 =	vor.u32 $0x1, v47;
	v11 =	vld.idx.msk [tilespmem:v44+s19+$0x0], $0xffff;
	v9 =	vadd.f32 v15, v9  }
0x13e: {  	v13 =	vor.u32 $0x2, v1;
	v48 =	vld.idx.msk [tilespmem:v47+s19+$0x0], $0xffff;
	v3 =	vadd.f32 v16, v3  }
0x13f: {  	v14 =	vor.u32 $0x2, v47;
	v54 =	vld.idx.msk [tilespmem:v49+s19+$0x0], $0xffff;
	v9 =	vadd.f32 v17, v9  }
0x140: {  	v16 =	vor.u32 $0x3, v1;
	v15 =	vld.idx.msk [tilespmem:v1+s19+$0x0], $0xffff;
	v3 =	vadd.f32 v18, v3  }
0x141: {  	v52 =	vor.u32 $0x5, v47;
	v10 =	vld.idx.msk [tilespmem:v10+s19+$0x0], $0xffff;
	v9 =	vadd.f32 v19, v9  }
0x142: {  	v12 =	vld.idx.msk [tilespmem:v12+s19+$0x0], $0xffff;
	v17 =	vor.u32 $0x4, v1;
	v3 =	vadd.f32 v20, v3  }
0x143: {  	v50 =	vor.u32 $0x4, v47;
	v13 =	vld.idx.msk [tilespmem:v13+s19+$0x0], $0xffff;
	v9 =	vadd.f32 v21, v9  }
0x144: {  	v51 =	vor.u32 $0x5, v1;
	v14 =	vld.idx.msk [tilespmem:v14+s19+$0x0], $0xffff;
	v3 =	vadd.f32 v22, v3  }
0x145: {  	v58 =	vor.u32 $0x8, v47;
	v16 =	vld.idx.msk [tilespmem:v16+s19+$0x0], $0xffff;
	v9 =	vadd.f32 v23, v9  }
0x146: {  	v53 =	vor.u32 $0x6, v1;
	v57 =	vld.idx.msk [tilespmem:v52+s19+$0x0], $0xffff;
	v10 =	vadd.f32 v10, v15;
	v3 =	vadd.f32 v24, v3  }
0x147: {  	v55 =	vor.u32 $0x6, v47;
	v12 =	vadd.f32 v12, v48;
	v15 =	vld.idx.msk [tilespmem:v17+s19+$0x0], $0xffff;
	v8 =	vadd.f32 v8, v9  }
0x148: {  	v18 =	vld.idx.msk [tilespmem:v50+s19+$0x0], $0xffff;
	v17 =	vor.u32 $0x7, v1;
	v10 =	vadd.f32 v13, v10;
	v3 =	vadd.f32 v43, v3  }
0x149: {  	v56 =	vor.u32 $0x7, v47;
	v12 =	vadd.f32 v14, v12;
	v13 =	vld.idx.msk [tilespmem:v51+s19+$0x0], $0xffff;
	v2 =	vadd.f32 v2, v8  }
0x14a: {  	v61 =	vld.idx.msk [tilespmem:v58+s19+$0x0], $0xffff;
	v9 =	vor.u32 $0x8, v1;
	v10 =	vadd.f32 v16, v10;
	v3 =	vadd.f32 v45, v3  }
0x14b: {  	v14 =	vld.idx.msk [tilespmem:v53+s19+$0x0], $0xffff;
	v12 =	vadd.f32 v54, v12;
	v8 =	vor.u32 $0x9, v1;
	v2 =	vadd.f32 v46, v2  }
0x14c: {  	v59 =	vor.u32 $0x9, v47;
	v16 =	vld.idx.msk [tilespmem:v55+s19+$0x0], $0xffff;
	v10 =	vadd.f32 v15, v10;
	v3 =	vadd.f32 v4, v3  }
0x14d: {  	v60 =	vor.u32 $0xA, v47;
	v12 =	vadd.f32 v18, v12;
	v15 =	vld.idx.msk [tilespmem:v17+s19+$0x0], $0xffff;
	v2 =	vadd.f32 v7, v2  }
0x14e: {  	v4 =	vor.u32 $0xA, v1;
	v17 =	vld.idx.msk [tilespmem:v56+s19+$0x0], $0xffff;
	v10 =	vadd.f32 v13, v10;
	v3 =	vadd.f32 v11, v3  }
0x14f: {  	v62 =	vor.u32 $0xB, v47;
	v9 =	vld.idx.msk [tilespmem:v9+s19+$0x0], $0xffff;
	v7 =	vadd.f32 v57, v12;
	v2 =	vadd.f32 v5, v2  }
0x150: {  	v11 =	vor.u32 $0xB, v1;
	v12 =	vadd.f32 v14, v10;
	v14 =	vld.idx.msk [tilespmem:v8+s19+$0x0], $0xffff;
	v3 =	vadd.f32 v6, v3  }
0x151: {  	v63 =	vor.u32 $0xC, v1;
	v10 =	vld.idx.msk [tilespmem:v59+s19+$0x0], $0xffff;
	v6 =	vadd.f32 v16, v7;
	v13 =	vsub.f32 $1.200000000e+01, v2  }
0x152: {  	v8 =	vld.idx.msk [tilespmem:v60+s19+$0x0], $0xffff;
	v5 =	vor.u32 $0xC, v47;
	v12 =	vadd.f32 v15, v12  }
0x153: {  	v7 =	vld.idx.msk [tilespmem:v4+s19+$0x0], $0xffff;
	v15 =	vsub.f32 $1.200000000e+01, v3;
	v16 =	vadd.f32 v17, v6;
	[tilespmem:s26+$0xFFFFFFF0] =	vst v13;
	v13 =	vor.u32 $0xD, v1  }
0x154: {  	v4 =	vor.u32 $0xD, v47;
	v6 =	vld.idx.msk [tilespmem:v62+s19+$0x0], $0xffff;
	v17 =	vadd.f32 v9, v12  }
0x155: {  	v9 =	vld.idx.msk [tilespmem:v11+s19+$0x0], $0xffff;
	[tilespmem:s26+$0x0] =	vst v15;
	v12 =	vor.u32 $0xE, v1;
	v15 =	vadd.f32 v61, v16  }
0x156: {  	s29 =	simm.s32 $0x2;
	s28 =	smov.u32 s26;
	s0 =	simm.s32 $0x50;
	v3 =	vor.u32 $0xE, v47;
	v2 =	vor.u32 $0xF, v47;
	v11 =	vld.idx.msk [tilespmem:v63+s19+$0x0], $0xffff;
	v14 =	vadd.f32 v14, v17  }
.LBB2_11:
0x157: {  	s1 =	sadd.s32 $0xFFFFFFF0, s0;
	v16 =	vmov s0;
	s29 =	sadd.s32 $0x2, s29;
	v17 =	vor.u32 $0xF, v1;
	v1 =	vadd.f32 v10, v15;
	v10 =	vld.idx.msk [tilespmem:v5+s19+$0x0], $0xffff  }
0x158: {  	v5 =	vmov s1;
	v15 =	vshll.u32 v16, $0x4;
	p0 =	slt.u32 s29, $0x6;
	v7 =	vadd.f32 v7, v14;
	v13 =	vld.idx.msk [tilespmem:v13+s19+$0x0], $0xffff  }
0x159: {  	v5 =	vshll.u32 v5, $0x4;
	v14 =	vor.u32 v0, v15;
	v8 =	vadd.f32 v8, v1;
	v15 =	vld.idx.msk [tilespmem:v4+s19+$0x0], $0xffff  }
0x15a: {  	v1 =	vor.u32 v0, v5;
	v16 =	vor.u32 $0x1, v14;
	v4 =	vadd.f32 v9, v7;
	v7 =	vld.idx.msk [tilespmem:v12+s19+$0x0], $0xffff  }
0x15b: {  	v9 =	vor.u32 $0x2, v14;
	v12 =	vor.u32 $0x3, v14;
	v5 =	vor.u32 $0x1, v1;
	v18 =	vld.idx.msk [tilespmem:v3+s19+$0x0], $0xffff  }
0x15c: {  	v19 =	vor.u32 $0x4, v14;
	v20 =	vor.u32 $0x5, v14;
	v3 =	vadd.f32 v11, v4;
	v11 =	vld.idx.msk [tilespmem:v17+s19+$0x0], $0xffff  }
0x15d: {  	v21 =	vor.u32 $0x6, v14;
	v22 =	vor.u32 $0x7, v14;
	v17 =	vor.u32 $0x2, v1;
	v23 =	vld.idx.msk [tilespmem:v2+s19+$0x0], $0xffff  }
0x15e: {  	v25 =	vor.u32 $0x8, v14;
	v26 =	vor.u32 $0x9, v14;
	v24 =	vld.idx.msk [tilespmem:v14+s19+$0x0], $0xffff;
	v2 =	vadd.f32 v13, v3  }
0x15f: {  	v28 =	vor.u32 $0xA, v14;
	v29 =	vor.u32 $0xB, v14;
	v27 =	vor.u32 $0x3, v1;
	v13 =	vld.idx.msk [tilespmem:v1+s19+$0x0], $0xffff  }
0x160: {  	v4 =	vor.u32 $0xD, v14;
	v30 =	vld.idx.msk [tilespmem:v5+s19+$0x0], $0xffff;
	v5 =	vor.u32 $0xC, v14;
	v7 =	vadd.f32 v7, v2  }
0x161: {  	v31 =	vor.u32 $0x4, v1;
	v6 =	vadd.f32 v6, v8;
	v3 =	vor.u32 $0xE, v14;
	v16 =	vld.idx.msk [tilespmem:v16+s19+$0x0], $0xffff  }
0x162: {  	v2 =	vor.u32 $0xF, v14;
	v8 =	vld.idx.msk [tilespmem:v17+s19+$0x0], $0xffff;
	v7 =	vadd.f32 v11, v7  }
0x163: {  	v6 =	vadd.f32 v10, v6;
	v11 =	vor.u32 $0x5, v1;
	v9 =	vld.idx.msk [tilespmem:v9+s19+$0x0], $0xffff  }
0x164: {  	v10 =	vld.idx.msk [tilespmem:v27+s19+$0x0], $0xffff;
	v7 =	vsub.f32 $1.200000000e+01, v7  }
0x165: {  	s28 =	sadd.s32 $0x20, s28;
	v6 =	vadd.f32 v15, v6;
	v14 =	vor.u32 $0x6, v1;
	v12 =	vld.idx.msk [tilespmem:v12+s19+$0x0], $0xffff  }
0x166: {  	v13 =	vadd.f32 v30, v13;
	v15 =	vld.idx.msk [tilespmem:v31+s19+$0x0], $0xffff;
	[tilespmem:s28+$0xFFFFFFF0] =	vst v7  }
0x167: {  	v6 =	vadd.f32 v18, v6;
	v7 =	vor.u32 $0x7, v1;
	v16 =	vadd.f32 v16, v24;
	v17 =	vld.idx.msk [tilespmem:v19+s19+$0x0], $0xffff  }
0x168: {  	v8 =	vadd.f32 v8, v13;
	v11 =	vld.idx.msk [tilespmem:v11+s19+$0x0], $0xffff  }
0x169: {  	v6 =	vadd.f32 v23, v6;
	v13 =	vor.u32 $0x8, v1;
	v9 =	vadd.f32 v9, v16;
	v16 =	vld.idx.msk [tilespmem:v20+s19+$0x0], $0xffff  }
0x16a: {  	v8 =	vadd.f32 v10, v8;
	v10 =	vld.idx.msk [tilespmem:v14+s19+$0x0], $0xffff  }
0x16b: {  	v6 =	vsub.f32 $1.200000000e+01, v6;
	v14 =	vor.u32 $0x9, v1;
	v9 =	vadd.f32 v12, v9;
	v12 =	vld.idx.msk [tilespmem:v21+s19+$0x0], $0xffff  }
0x16c: {  	v8 =	vadd.f32 v15, v8;
	v7 =	vld.idx.msk [tilespmem:v7+s19+$0x0], $0xffff  }
0x16d: {  	v15 =	vor.u32 $0xA, v1;
	v9 =	vadd.f32 v17, v9;
	v17 =	vld.idx.msk [tilespmem:v22+s19+$0x0], $0xffff;
	[tilespmem:s28+$0x0] =	vst v6  }
0x16e: {  	v6 =	vadd.f32 v11, v8;
	v11 =	vld.idx.msk [tilespmem:v13+s19+$0x0], $0xffff  }
0x16f: {  	v18 =	vor.u32 $0xB, v1;
	v8 =	vadd.f32 v16, v9;
	v16 =	vld.idx.msk [tilespmem:v25+s19+$0x0], $0xffff  }
0x170: {  	v6 =	vadd.f32 v10, v6;
	v14 =	vld.idx.msk [tilespmem:v14+s19+$0x0], $0xffff  }
0x171: {  	v19 =	vor.u32 $0xC, v1;
	v8 =	vadd.f32 v12, v8;
	v10 =	vld.idx.msk [tilespmem:v26+s19+$0x0], $0xffff  }
.Ltmp4:
0x172: {  	v6 =	vadd.f32 v7, v6;
	v7 =	vld.idx.msk [tilespmem:v15+s19+$0x0], $0xffff;
	(pc) =	sbr.rel @p0 .LBB2_11-.Ltmp4, $4  }
0x173: {  	v13 =	vor.u32 $0xD, v1;
	v15 =	vadd.f32 v17, v8;
	v8 =	vld.idx.msk [tilespmem:v28+s19+$0x0], $0xffff  }
0x174: {  	v11 =	vadd.f32 v11, v6;
	v9 =	vld.idx.msk [tilespmem:v18+s19+$0x0], $0xffff  }
0x175: {  	v12 =	vor.u32 $0xE, v1;
	v15 =	vadd.f32 v16, v15;
	v6 =	vld.idx.msk [tilespmem:v29+s19+$0x0], $0xffff  }
0x176: {  	s0 =	sadd.s32 $0x20, s0;
	v14 =	vadd.f32 v14, v11;
	v11 =	vld.idx.msk [tilespmem:v19+s19+$0x0], $0xffff  }
0x177: {  	_ =	sdelay $0x2  }
0x178: {  	v10 =	vadd.f32 v10, v15  }
0x179: {  	v1 =	vor.u32 $0xF, v1;
	v5 =	vld.idx.msk [tilespmem:v5+s19+$0x0], $0xffff;
	v7 =	vadd.f32 v7, v14  }
0x17a: {  	v13 =	vld.idx.msk [tilespmem:v13+s19+$0x0], $0xffff;
	v8 =	vadd.f32 v8, v10  }
0x17b: {  	v4 =	vld.idx.msk [tilespmem:v4+s19+$0x0], $0xffff;
	v7 =	vadd.f32 v9, v7  }
0x17c: {  	v61 =	vld.idx.msk [tilespmem:v12+s19+$0x0], $0xffff;
	v6 =	vadd.f32 v6, v8  }
0x17d: {  	v3 =	vld.idx.msk [tilespmem:v3+s19+$0x0], $0xffff;
	v7 =	vadd.f32 v11, v7  }
0x17e: {  	v1 =	vld.idx.msk [tilespmem:v1+s19+$0x0], $0xffff;
	v5 =	vadd.f32 v5, v6  }
0x17f: {  	v2 =	vld.idx.msk [tilespmem:v2+s19+$0x0], $0xffff;
	v62 =	vadd.f32 v13, v7  }
0x180: {  	v4 =	vadd.f32 v4, v5  }
0x181: {  	v63 =	vadd.f32 v61, v62  }
0x182: {  	s24 =	sadd.s32 $0x1, s24;
	v3 =	vadd.f32 v3, v4  }
0x183: {  	p0 =	sne.s32 s24, $0x3F;
	v1 =	vadd.f32 v1, v63  }
.Ltmp5:
0x184: {  	v2 =	vadd.f32 v2, v3;
	(pc) =	sbr.rel @p0 .LBB2_4-.Ltmp5, $4  }
0x185: {  	v1 =	vsub.f32 $1.200000000e+01, v1  }
0x186: {  	s0 =	sadd.s32 $0x20, s28;
	v2 =	vsub.f32 $1.200000000e+01, v2  }
0x187: {  	[tilespmem:s0+$0xFFFFFFF0] =	vst v1  }
0x188: {  	s25 =	sadd.s32 $0x100, s25;
	s26 =	sadd.s32 $0x100, s26;
	[tilespmem:s0+$0x0] =	vst v2  }
0x189: {  	[tilespmem:s17], [sflag:$0x3] =	stream.indirect.gather [hbm4b:s3+s11], $0x40, s21, s11, $0xb8;
	[tilespmem:$0x12900] =	vst v63  }
0x18a: {  	_ =	swait.ge [sflag:s18], $0x2000  }
0x18b: {  	[sflag:s18] =	ssyncset.done $0x0  }
0x18c: {  	[sflag:s18] =	ssyncadd.s32 $0xFFFFE000  }
0x18d: {  	v3 =	vld [tilespmem:$0x6080]  }
0x18e: {  	v4 =	vld [tilespmem:$0x6090]  }
0x18f: {  	v2 =	vld [tilespmem:$0x60A0]  }
0x190: {  	s1 =	simm.s32 $0xA180;
	v1 =	vld [tilespmem:$0x60B0]  }
0x191: {  	v5 =	vld [tilespmem:s1+$0x40]  }
0x192: {  	v6 =	vld [tilespmem:s1+$0x50]  }
0x193: {  	v7 =	vld [tilespmem:s1+$0xFFFFFF90]  }
0x194: {  	v8 =	vld [tilespmem:s1+$0x60]  }
0x195: {  	v9 =	vld [tilespmem:s1+$0xFFFFFFC0]  }
0x196: {  	v10 =	vld [tilespmem:s1+$0x70]  }
0x197: {  	v13 =	vld [tilespmem:s1+$0x10]  }
0x198: {  	v11 =	vld [tilespmem:s1+$0xFFFFFFD0]  }
0x199: {  	v12 =	vld [tilespmem:s1+$0x0];
	v5 =	vsub.f32 v5, v3;
	v6 =	vsub.f32 v6, v4  }
0x19a: {  	v16 =	vld [tilespmem:s1+$0xFFFFFFA0];
	v8 =	vsub.f32 v8, v2  }
0x19b: {  	v14 =	vsub.f32 v7, v4;
	v5 =	vand.u32 $0x7FFFFFFF, v5;
	v6 =	vand.u32 $0x7FFFFFFF, v6  }
0x19c: {  	v15 =	vld [tilespmem:s1+$0xFFFFFF80];
	v17 =	vsub.f32 v13, v4;
	v5 =	vadd.f32 v6, v5  }
0x19d: {  	v7 =	vand.u32 $0x7FFFFFFF, v8;
	v8 =	vsub.f32 v10, v1;
	v10 =	vsub.f32 v11, v4  }
0x19e: {  	v6 =	vsub.f32 v9, v3;
	v9 =	vld [tilespmem:s1+$0xFFFFFFE0];
	v5 =	vadd.f32 v7, v5  }
0x19f: {  	v13 =	vsub.f32 v16, v2;
	v11 =	vsub.f32 v12, v3;
	v12 =	vand.u32 $0x7FFFFFFF, v8;
	v7 =	vld [tilespmem:s1+$0x20]  }
0x1a0: {  	v8 =	vld [tilespmem:s1+$0xFFFFFFB0];
	v10 =	vand.u32 $0x7FFFFFFF, v10;
	v6 =	vand.u32 $0x7FFFFFFF, v6;
	v18 =	vadd.f32 v12, v5  }
0x1a1: {  	s0 =	simm.s32 $0xE120;
	v6 =	vadd.f32 v10, v6;
	v10 =	vld [tilespmem:s1+$0xFFFFFFF0];
	v12 =	vsub.f32 v15, v3  }
0x1a2: {  	s25 =	simm.s32 $0x0;
	s24 =	simm.s32 $0x12810;
	s26 =	simm.s32 $0xA280;
	v5 =	vand.u32 $0x7FFFFFFF, v14;
	v14 =	vand.u32 $0x7FFFFFFF, v11;
	v15 =	vand.u32 $0x7FFFFFFF, v17;
	v11 =	vld [tilespmem:s1+$0x30];
	[tilespmem:s0+$0x10] =	vst v18  }
.LBB2_14:
0x1a3: {  	v16 =	vld [tilespmem:s26+$0x40];
	v12 =	vand.u32 $0x7FFFFFFF, v12;
	v9 =	vsub.f32 v9, v2;
	v14 =	vadd.f32 v15, v14  }
0x1a4: {  	s25 =	sadd.s32 $0x4, s25;
	v15 =	vld [tilespmem:s26+$0x50];
	v5 =	vadd.f32 v5, v12;
	v12 =	vand.u32 $0x7FFFFFFF, v13;
	v7 =	vsub.f32 v7, v2  }
0x1a5: {  	p0 =	slt.u32 s25, $0x7C;
	v13 =	vld [tilespmem:s26+$0xFFFFFF90];
	v8 =	vsub.f32 v8, v1;
	v9 =	vand.u32 $0x7FFFFFFF, v9  }
0x1a6: {  	v17 =	vld [tilespmem:s26+$0x60];
	v5 =	vadd.f32 v12, v5;
	v10 =	vsub.f32 v10, v1;
	v7 =	vand.u32 $0x7FFFFFFF, v7  }
0x1a7: {  	v6 =	vadd.f32 v9, v6;
	v12 =	vld [tilespmem:s26+$0xFFFFFFC0];
	v8 =	vand.u32 $0x7FFFFFFF, v8;
	v9 =	vsub.f32 v11, v1  }
0x1a8: {  	v7 =	vadd.f32 v7, v14;
	v11 =	vld [tilespmem:s26+$0x70];
	v5 =	vadd.f32 v8, v5;
	v8 =	vand.u32 $0x7FFFFFFF, v10  }
0x1a9: {  	v14 =	vsub.f32 v16, v3;
	v10 =	vld [tilespmem:s26+$0xFFFFFFD0];
	v15 =	vsub.f32 v15, v4;
	v9 =	vand.u32 $0x7FFFFFFF, v9  }
0x1aa: {  	v6 =	vadd.f32 v8, v6;
	v13 =	vsub.f32 v13, v4;
	v16 =	vld [tilespmem:s26+$0x0];
	[tilespmem:s0+$0xFFFFFFE0] =	vst v5  }
0x1ab: {  	v8 =	vand.u32 $0x7FFFFFFF, v14;
	v18 =	vld [tilespmem:s26+$0x10];
	v14 =	vand.u32 $0x7FFFFFFF, v15;
	v15 =	vsub.f32 v17, v2  }
0x1ac: {  	v17 =	vld [tilespmem:s26+$0xFFFFFF80];
	v5 =	vand.u32 $0x7FFFFFFF, v13;
	v12 =	vsub.f32 v12, v3;
	v8 =	vadd.f32 v14, v8;
	[tilespmem:s0+$0xFFFFFFF0] =	vst v6  }
0x1ad: {  	v14 =	vadd.f32 v9, v7;
	v13 =	vld [tilespmem:s26+$0xFFFFFFA0];
	v6 =	vand.u32 $0x7FFFFFFF, v15;
	v11 =	vsub.f32 v11, v1  }
.Ltmp6:
0x1ae: {  	v15 =	vand.u32 $0x7FFFFFFF, v12;
	v10 =	vsub.f32 v10, v4;
	v9 =	vld [tilespmem:s26+$0xFFFFFFE0];
	v6 =	vadd.f32 v6, v8;
	(pc) =	sbr.rel @p0 .LBB2_14-.Ltmp6, $4  }
0x1af: {  	v16 =	vsub.f32 v16, v3;
	v7 =	vld [tilespmem:s26+$0x20];
	v11 =	vand.u32 $0x7FFFFFFF, v11;
	[tilespmem:s0+$0x0] =	vst v14  }
0x1b0: {  	v8 =	vld [tilespmem:s26+$0xFFFFFFB0];
	v10 =	vand.u32 $0x7FFFFFFF, v10;
	v18 =	vsub.f32 v18, v4;
	v19 =	vadd.f32 v11, v6  }
0x1b1: {  	s0 =	sadd.s32 $0x40, s0;
	v12 =	vsub.f32 v17, v3;
	v6 =	vadd.f32 v10, v15;
	v10 =	vld [tilespmem:s26+$0xFFFFFFF0];
	v14 =	vand.u32 $0x7FFFFFFF, v16  }
0x1b2: {  	s28 =	simm.s32 $0x10;
	v13 =	vsub.f32 v13, v2;
	v15 =	vand.u32 $0x7FFFFFFF, v18;
	v11 =	vld [tilespmem:s26+$0x30];
	[tilespmem:s0+$0x10] =	vst v19;
	s26 =	sadd.s32 $0x100, s26  }
0x1b3: {  	v3 =	vand.u32 $0x7FFFFFFF, v12;
	v4 =	vsub.f32 v9, v2;
	v9 =	vadd.f32 v15, v14  }
0x1b4: {  	v3 =	vadd.f32 v5, v3;
	v2 =	vsub.f32 v7, v2  }
0x1b5: {  	v5 =	vand.u32 $0x7FFFFFFF, v13;
	v7 =	vsub.f32 v8, v1;
	v4 =	vand.u32 $0x7FFFFFFF, v4  }
0x1b6: {  	v3 =	vadd.f32 v5, v3;
	v5 =	vsub.f32 v10, v1;
	v2 =	vand.u32 $0x7FFFFFFF, v2  }
0x1b7: {  	v4 =	vadd.f32 v4, v6;
	v6 =	vmov s28;
	v7 =	vand.u32 $0x7FFFFFFF, v7  }
0x1b8: {  	v1 =	vsub.f32 v11, v1;
	v6 =	vshll.u32 v6, $0x4;
	v2 =	vadd.f32 v2, v9  }
0x1b9: {  	v3 =	vadd.f32 v7, v3;
	v5 =	vand.u32 $0x7FFFFFFF, v5;
	v6 =	vor.u32 v0, v6  }
0x1ba: {  	v1 =	vand.u32 $0x7FFFFFFF, v1;
	v4 =	vadd.f32 v5, v4;
	v10 =	vor.u32 $0x3, v6  }
0x1bb: {  	s1 =	simm.s32 $0x0;
	v12 =	vor.u32 $0x4, v6;
	[tilespmem:s0+$0xFFFFFFE0] =	vst v3;
	v1 =	vadd.f32 v1, v2  }
0x1bc: {  	v7 =	vmov s1;
	v14 =	vor.u32 $0x5, v6;
	[tilespmem:s0+$0xFFFFFFF0] =	vst v4  }
0x1bd: {  	v7 =	vshll.u32 v7, $0x4;
	v16 =	vor.u32 $0x6, v6;
	[tilespmem:s0+$0x0] =	vst v1  }
0x1be: {  	v18 =	vor.u32 $0x7, v6;
	v5 =	vor.u32 v0, v7;
	v7 =	vld.idx.msk [tilespmem:v6+s19+$0x0], $0xffff  }
0x1bf: {  	v20 =	vor.u32 $0x8, v6;
	v10 =	vld.idx.msk [tilespmem:v10+s19+$0x0], $0xffff  }
0x1c0: {  	v22 =	vor.u32 $0x9, v6;
	v12 =	vld.idx.msk [tilespmem:v12+s19+$0x0], $0xffff  }
0x1c1: {  	v24 =	vor.u32 $0xA, v6;
	v14 =	vld.idx.msk [tilespmem:v14+s19+$0x0], $0xffff  }
0x1c2: {  	v26 =	vor.u32 $0xB, v6;
	v16 =	vld.idx.msk [tilespmem:v16+s19+$0x0], $0xffff  }
0x1c3: {  	v28 =	vor.u32 $0xC, v6;
	v18 =	vld.idx.msk [tilespmem:v18+s19+$0x0], $0xffff  }
0x1c4: {  	v20 =	vld.idx.msk [tilespmem:v20+s19+$0x0], $0xffff  }
0x1c5: {  	v3 =	vor.u32 $0x1, v6;
	v22 =	vld.idx.msk [tilespmem:v22+s19+$0x0], $0xffff  }
0x1c6: {  	v2 =	vor.u32 $0x1, v5;
	v24 =	vld.idx.msk [tilespmem:v24+s19+$0x0], $0xffff  }
0x1c7: {  	v4 =	vor.u32 $0x2, v6;
	v43 =	vld.idx.msk [tilespmem:v26+s19+$0x0], $0xffff  }
0x1c8: {  	v9 =	vor.u32 $0x3, v5;
	v45 =	vld.idx.msk [tilespmem:v28+s19+$0x0], $0xffff  }
0x1c9: {  	v11 =	vor.u32 $0x4, v5;
	v8 =	vld.idx.msk [tilespmem:v5+s19+$0x0], $0xffff  }
0x1ca: {  	v13 =	vor.u32 $0x5, v5;
	v3 =	vld.idx.msk [tilespmem:v3+s19+$0x0], $0xffff  }
0x1cb: {  	v1 =	vor.u32 $0x2, v5;
	v2 =	vld.idx.msk [tilespmem:v2+s19+$0x0], $0xffff  }
0x1cc: {  	v15 =	vor.u32 $0x6, v5;
	v4 =	vld.idx.msk [tilespmem:v4+s19+$0x0], $0xffff  }
0x1cd: {  	v17 =	vor.u32 $0x7, v5;
	v9 =	vld.idx.msk [tilespmem:v9+s19+$0x0], $0xffff  }
0x1ce: {  	v19 =	vor.u32 $0x8, v5;
	v11 =	vld.idx.msk [tilespmem:v11+s19+$0x0], $0xffff  }
0x1cf: {  	v21 =	vor.u32 $0x9, v5;
	v13 =	vld.idx.msk [tilespmem:v13+s19+$0x0], $0xffff  }
0x1d0: {  	v23 =	vor.u32 $0xA, v5;
	v1 =	vld.idx.msk [tilespmem:v1+s19+$0x0], $0xffff  }
0x1d1: {  	v29 =	vor.u32 $0xD, v5;
	v15 =	vld.idx.msk [tilespmem:v15+s19+$0x0], $0xffff  }
0x1d2: {  	v30 =	vor.u32 $0xD, v6;
	v44 =	vor.u32 $0xE, v6;
	v6 =	vor.u32 $0xF, v6;
	v17 =	vld.idx.msk [tilespmem:v17+s19+$0x0], $0xffff  }
0x1d3: {  	v25 =	vor.u32 $0xB, v5;
	v19 =	vld.idx.msk [tilespmem:v19+s19+$0x0], $0xffff;
	v2 =	vadd.f32 v2, v8  }
0x1d4: {  	v27 =	vor.u32 $0xC, v5;
	v21 =	vld.idx.msk [tilespmem:v21+s19+$0x0], $0xffff;
	v3 =	vadd.f32 v3, v7  }
0x1d5: {  	v23 =	vld.idx.msk [tilespmem:v23+s19+$0x0], $0xffff;
	v1 =	vadd.f32 v1, v2  }
0x1d6: {  	s30 =	simm.s32 $0x30;
	v46 =	vld.idx.msk [tilespmem:v29+s19+$0x0], $0xffff;
	v7 =	vor.u32 $0xE, v5;
	v3 =	vadd.f32 v4, v3  }
0x1d7: {  	v6 =	vld.idx.msk [tilespmem:v6+s19+$0x0], $0xffff;
	v5 =	vor.u32 $0xF, v5;
	v4 =	vmov s30;
	v9 =	vadd.f32 v9, v1  }
0x1d8: {  	s31 =	simm.s32 $0x20;
	v8 =	vld.idx.msk [tilespmem:v25+s19+$0x0], $0xffff;
	v4 =	vshll.u32 v4, $0x4;
	v3 =	vadd.f32 v10, v3  }
0x1d9: {  	v2 =	vld.idx.msk [tilespmem:v27+s19+$0x0], $0xffff;
	v47 =	vor.u32 v0, v4;
	v1 =	vmov s31;
	v9 =	vadd.f32 v11, v9  }
0x1da: {  	v4 =	vld.idx.msk [tilespmem:v30+s19+$0x0], $0xffff;
	v49 =	vor.u32 $0x3, v47;
	v1 =	vshll.u32 v1, $0x4;
	v3 =	vadd.f32 v12, v3  }
0x1db: {  	v7 =	vld.idx.msk [tilespmem:v7+s19+$0x0], $0xffff;
	v1 =	vor.u32 v0, v1;
	v9 =	vadd.f32 v13, v9  }
0x1dc: {  	v5 =	vld.idx.msk [tilespmem:v5+s19+$0x0], $0xffff;
	v10 =	vor.u32 $0x1, v1;
	v3 =	vadd.f32 v14, v3  }
0x1dd: {  	v12 =	vor.u32 $0x1, v47;
	v11 =	vld.idx.msk [tilespmem:v44+s19+$0x0], $0xffff;
	v9 =	vadd.f32 v15, v9  }
0x1de: {  	v13 =	vor.u32 $0x2, v1;
	v48 =	vld.idx.msk [tilespmem:v47+s19+$0x0], $0xffff;
	v3 =	vadd.f32 v16, v3  }
0x1df: {  	v14 =	vor.u32 $0x2, v47;
	v54 =	vld.idx.msk [tilespmem:v49+s19+$0x0], $0xffff;
	v9 =	vadd.f32 v17, v9  }
0x1e0: {  	v16 =	vor.u32 $0x3, v1;
	v15 =	vld.idx.msk [tilespmem:v1+s19+$0x0], $0xffff;
	v3 =	vadd.f32 v18, v3  }
0x1e1: {  	v52 =	vor.u32 $0x5, v47;
	v10 =	vld.idx.msk [tilespmem:v10+s19+$0x0], $0xffff;
	v9 =	vadd.f32 v19, v9  }
0x1e2: {  	v12 =	vld.idx.msk [tilespmem:v12+s19+$0x0], $0xffff;
	v17 =	vor.u32 $0x4, v1;
	v3 =	vadd.f32 v20, v3  }
0x1e3: {  	v50 =	vor.u32 $0x4, v47;
	v13 =	vld.idx.msk [tilespmem:v13+s19+$0x0], $0xffff;
	v9 =	vadd.f32 v21, v9  }
0x1e4: {  	v51 =	vor.u32 $0x5, v1;
	v14 =	vld.idx.msk [tilespmem:v14+s19+$0x0], $0xffff;
	v3 =	vadd.f32 v22, v3  }
0x1e5: {  	v58 =	vor.u32 $0x8, v47;
	v16 =	vld.idx.msk [tilespmem:v16+s19+$0x0], $0xffff;
	v9 =	vadd.f32 v23, v9  }
0x1e6: {  	v53 =	vor.u32 $0x6, v1;
	v57 =	vld.idx.msk [tilespmem:v52+s19+$0x0], $0xffff;
	v10 =	vadd.f32 v10, v15;
	v3 =	vadd.f32 v24, v3  }
0x1e7: {  	v55 =	vor.u32 $0x6, v47;
	v12 =	vadd.f32 v12, v48;
	v15 =	vld.idx.msk [tilespmem:v17+s19+$0x0], $0xffff;
	v8 =	vadd.f32 v8, v9  }
0x1e8: {  	v18 =	vld.idx.msk [tilespmem:v50+s19+$0x0], $0xffff;
	v17 =	vor.u32 $0x7, v1;
	v10 =	vadd.f32 v13, v10;
	v3 =	vadd.f32 v43, v3  }
0x1e9: {  	v56 =	vor.u32 $0x7, v47;
	v12 =	vadd.f32 v14, v12;
	v13 =	vld.idx.msk [tilespmem:v51+s19+$0x0], $0xffff;
	v2 =	vadd.f32 v2, v8  }
0x1ea: {  	v61 =	vld.idx.msk [tilespmem:v58+s19+$0x0], $0xffff;
	v9 =	vor.u32 $0x8, v1;
	v10 =	vadd.f32 v16, v10;
	v3 =	vadd.f32 v45, v3  }
0x1eb: {  	v14 =	vld.idx.msk [tilespmem:v53+s19+$0x0], $0xffff;
	v12 =	vadd.f32 v54, v12;
	v8 =	vor.u32 $0x9, v1;
	v2 =	vadd.f32 v46, v2  }
0x1ec: {  	v59 =	vor.u32 $0x9, v47;
	v16 =	vld.idx.msk [tilespmem:v55+s19+$0x0], $0xffff;
	v10 =	vadd.f32 v15, v10;
	v3 =	vadd.f32 v4, v3  }
0x1ed: {  	v60 =	vor.u32 $0xA, v47;
	v12 =	vadd.f32 v18, v12;
	v15 =	vld.idx.msk [tilespmem:v17+s19+$0x0], $0xffff;
	v2 =	vadd.f32 v7, v2  }
0x1ee: {  	v4 =	vor.u32 $0xA, v1;
	v17 =	vld.idx.msk [tilespmem:v56+s19+$0x0], $0xffff;
	v10 =	vadd.f32 v13, v10;
	v3 =	vadd.f32 v11, v3  }
0x1ef: {  	v62 =	vor.u32 $0xB, v47;
	v9 =	vld.idx.msk [tilespmem:v9+s19+$0x0], $0xffff;
	v7 =	vadd.f32 v57, v12;
	v2 =	vadd.f32 v5, v2  }
0x1f0: {  	v11 =	vor.u32 $0xB, v1;
	v12 =	vadd.f32 v14, v10;
	v14 =	vld.idx.msk [tilespmem:v8+s19+$0x0], $0xffff;
	v3 =	vadd.f32 v6, v3  }
0x1f1: {  	v63 =	vor.u32 $0xC, v1;
	v10 =	vld.idx.msk [tilespmem:v59+s19+$0x0], $0xffff;
	v6 =	vadd.f32 v16, v7;
	v13 =	vsub.f32 $1.200000000e+01, v2  }
0x1f2: {  	v8 =	vld.idx.msk [tilespmem:v60+s19+$0x0], $0xffff;
	v5 =	vor.u32 $0xC, v47;
	v12 =	vadd.f32 v15, v12  }
0x1f3: {  	v7 =	vld.idx.msk [tilespmem:v4+s19+$0x0], $0xffff;
	v15 =	vsub.f32 $1.200000000e+01, v3;
	v16 =	vadd.f32 v17, v6;
	[tilespmem:s24+$0xFFFFFFF0] =	vst v13;
	v13 =	vor.u32 $0xD, v1  }
0x1f4: {  	v4 =	vor.u32 $0xD, v47;
	v6 =	vld.idx.msk [tilespmem:v62+s19+$0x0], $0xffff;
	v17 =	vadd.f32 v9, v12  }
0x1f5: {  	v9 =	vld.idx.msk [tilespmem:v11+s19+$0x0], $0xffff;
	[tilespmem:s24+$0x0] =	vst v15;
	v12 =	vor.u32 $0xE, v1;
	v15 =	vadd.f32 v61, v16  }
0x1f6: {  	s25 =	simm.s32 $0x2;
	s0 =	simm.s32 $0x50;
	v3 =	vor.u32 $0xE, v47;
	v2 =	vor.u32 $0xF, v47;
	v11 =	vld.idx.msk [tilespmem:v63+s19+$0x0], $0xffff;
	v14 =	vadd.f32 v14, v17  }
.LBB2_16:
0x1f7: {  	s1 =	sadd.s32 $0xFFFFFFF0, s0;
	v16 =	vmov s0;
	s25 =	sadd.s32 $0x2, s25;
	v17 =	vor.u32 $0xF, v1;
	v1 =	vadd.f32 v10, v15;
	v10 =	vld.idx.msk [tilespmem:v5+s19+$0x0], $0xffff  }
0x1f8: {  	v5 =	vmov s1;
	v15 =	vshll.u32 v16, $0x4;
	p0 =	slt.u32 s25, $0x6;
	v7 =	vadd.f32 v7, v14;
	v13 =	vld.idx.msk [tilespmem:v13+s19+$0x0], $0xffff  }
0x1f9: {  	v5 =	vshll.u32 v5, $0x4;
	v14 =	vor.u32 v0, v15;
	v8 =	vadd.f32 v8, v1;
	v15 =	vld.idx.msk [tilespmem:v4+s19+$0x0], $0xffff  }
0x1fa: {  	v1 =	vor.u32 v0, v5;
	v16 =	vor.u32 $0x1, v14;
	v4 =	vadd.f32 v9, v7;
	v7 =	vld.idx.msk [tilespmem:v12+s19+$0x0], $0xffff  }
0x1fb: {  	v9 =	vor.u32 $0x2, v14;
	v12 =	vor.u32 $0x3, v14;
	v5 =	vor.u32 $0x1, v1;
	v18 =	vld.idx.msk [tilespmem:v3+s19+$0x0], $0xffff  }
0x1fc: {  	v19 =	vor.u32 $0x4, v14;
	v20 =	vor.u32 $0x5, v14;
	v3 =	vadd.f32 v11, v4;
	v11 =	vld.idx.msk [tilespmem:v17+s19+$0x0], $0xffff  }
0x1fd: {  	v21 =	vor.u32 $0x6, v14;
	v22 =	vor.u32 $0x7, v14;
	v17 =	vor.u32 $0x2, v1;
	v23 =	vld.idx.msk [tilespmem:v2+s19+$0x0], $0xffff  }
0x1fe: {  	v25 =	vor.u32 $0x8, v14;
	v26 =	vor.u32 $0x9, v14;
	v24 =	vld.idx.msk [tilespmem:v14+s19+$0x0], $0xffff;
	v2 =	vadd.f32 v13, v3  }
0x1ff: {  	v28 =	vor.u32 $0xA, v14;
	v29 =	vor.u32 $0xB, v14;
	v27 =	vor.u32 $0x3, v1;
	v13 =	vld.idx.msk [tilespmem:v1+s19+$0x0], $0xffff  }
0x200: {  	v4 =	vor.u32 $0xD, v14;
	v30 =	vld.idx.msk [tilespmem:v5+s19+$0x0], $0xffff;
	v5 =	vor.u32 $0xC, v14;
	v7 =	vadd.f32 v7, v2  }
0x201: {  	v31 =	vor.u32 $0x4, v1;
	v6 =	vadd.f32 v6, v8;
	v3 =	vor.u32 $0xE, v14;
	v16 =	vld.idx.msk [tilespmem:v16+s19+$0x0], $0xffff  }
0x202: {  	v2 =	vor.u32 $0xF, v14;
	v8 =	vld.idx.msk [tilespmem:v17+s19+$0x0], $0xffff;
	v7 =	vadd.f32 v11, v7  }
0x203: {  	v6 =	vadd.f32 v10, v6;
	v11 =	vor.u32 $0x5, v1;
	v9 =	vld.idx.msk [tilespmem:v9+s19+$0x0], $0xffff  }
0x204: {  	v10 =	vld.idx.msk [tilespmem:v27+s19+$0x0], $0xffff;
	v7 =	vsub.f32 $1.200000000e+01, v7  }
0x205: {  	s24 =	sadd.s32 $0x20, s24;
	v6 =	vadd.f32 v15, v6;
	v14 =	vor.u32 $0x6, v1;
	v12 =	vld.idx.msk [tilespmem:v12+s19+$0x0], $0xffff  }
0x206: {  	v13 =	vadd.f32 v30, v13;
	v15 =	vld.idx.msk [tilespmem:v31+s19+$0x0], $0xffff;
	[tilespmem:s24+$0xFFFFFFF0] =	vst v7  }
0x207: {  	v6 =	vadd.f32 v18, v6;
	v7 =	vor.u32 $0x7, v1;
	v16 =	vadd.f32 v16, v24;
	v17 =	vld.idx.msk [tilespmem:v19+s19+$0x0], $0xffff  }
0x208: {  	v8 =	vadd.f32 v8, v13;
	v11 =	vld.idx.msk [tilespmem:v11+s19+$0x0], $0xffff  }
0x209: {  	v6 =	vadd.f32 v23, v6;
	v13 =	vor.u32 $0x8, v1;
	v9 =	vadd.f32 v9, v16;
	v16 =	vld.idx.msk [tilespmem:v20+s19+$0x0], $0xffff  }
0x20a: {  	v8 =	vadd.f32 v10, v8;
	v10 =	vld.idx.msk [tilespmem:v14+s19+$0x0], $0xffff  }
0x20b: {  	v6 =	vsub.f32 $1.200000000e+01, v6;
	v14 =	vor.u32 $0x9, v1;
	v9 =	vadd.f32 v12, v9;
	v12 =	vld.idx.msk [tilespmem:v21+s19+$0x0], $0xffff  }
0x20c: {  	v8 =	vadd.f32 v15, v8;
	v7 =	vld.idx.msk [tilespmem:v7+s19+$0x0], $0xffff  }
0x20d: {  	v15 =	vor.u32 $0xA, v1;
	v9 =	vadd.f32 v17, v9;
	v17 =	vld.idx.msk [tilespmem:v22+s19+$0x0], $0xffff;
	[tilespmem:s24+$0x0] =	vst v6  }
0x20e: {  	v6 =	vadd.f32 v11, v8;
	v11 =	vld.idx.msk [tilespmem:v13+s19+$0x0], $0xffff  }
0x20f: {  	v18 =	vor.u32 $0xB, v1;
	v8 =	vadd.f32 v16, v9;
	v16 =	vld.idx.msk [tilespmem:v25+s19+$0x0], $0xffff  }
0x210: {  	v6 =	vadd.f32 v10, v6;
	v14 =	vld.idx.msk [tilespmem:v14+s19+$0x0], $0xffff  }
0x211: {  	v19 =	vor.u32 $0xC, v1;
	v8 =	vadd.f32 v12, v8;
	v10 =	vld.idx.msk [tilespmem:v26+s19+$0x0], $0xffff  }
.Ltmp7:
0x212: {  	v6 =	vadd.f32 v7, v6;
	v7 =	vld.idx.msk [tilespmem:v15+s19+$0x0], $0xffff;
	(pc) =	sbr.rel @p0 .LBB2_16-.Ltmp7, $4  }
0x213: {  	v13 =	vor.u32 $0xD, v1;
	v15 =	vadd.f32 v17, v8;
	v8 =	vld.idx.msk [tilespmem:v28+s19+$0x0], $0xffff  }
0x214: {  	v11 =	vadd.f32 v11, v6;
	v9 =	vld.idx.msk [tilespmem:v18+s19+$0x0], $0xffff  }
0x215: {  	v12 =	vor.u32 $0xE, v1;
	v15 =	vadd.f32 v16, v15;
	v6 =	vld.idx.msk [tilespmem:v29+s19+$0x0], $0xffff  }
0x216: {  	s0 =	sadd.s32 $0x20, s0;
	v14 =	vadd.f32 v14, v11;
	v11 =	vld.idx.msk [tilespmem:v19+s19+$0x0], $0xffff  }
0x217: {  	_ =	sdelay $0x2  }
0x218: {  	v10 =	vadd.f32 v10, v15  }
0x219: {  	v1 =	vor.u32 $0xF, v1;
	v5 =	vld.idx.msk [tilespmem:v5+s19+$0x0], $0xffff;
	v7 =	vadd.f32 v7, v14  }
0x21a: {  	v13 =	vld.idx.msk [tilespmem:v13+s19+$0x0], $0xffff;
	v8 =	vadd.f32 v8, v10  }
0x21b: {  	v4 =	vld.idx.msk [tilespmem:v4+s19+$0x0], $0xffff;
	v7 =	vadd.f32 v9, v7  }
0x21c: {  	v9 =	vld.idx.msk [tilespmem:v12+s19+$0x0], $0xffff;
	v6 =	vadd.f32 v6, v8  }
0x21d: {  	v3 =	vld.idx.msk [tilespmem:v3+s19+$0x0], $0xffff;
	v7 =	vadd.f32 v11, v7  }
0x21e: {  	v1 =	vld.idx.msk [tilespmem:v1+s19+$0x0], $0xffff;
	v5 =	vadd.f32 v5, v6  }
0x21f: {  	v2 =	vld.idx.msk [tilespmem:v2+s19+$0x0], $0xffff;
	v6 =	vadd.f32 v13, v7  }
0x220: {  	v4 =	vadd.f32 v4, v5  }
0x221: {  	v5 =	vadd.f32 v9, v6  }
0x222: {  	v3 =	vadd.f32 v3, v4  }
0x223: {  	v1 =	vadd.f32 v1, v5  }
0x224: {  	v2 =	vadd.f32 v2, v3  }
0x225: {  	v1 =	vsub.f32 $1.200000000e+01, v1  }
0x226: {  	s0 =	sadd.s32 $0x20, s24;
	v2 =	vsub.f32 $1.200000000e+01, v2  }
0x227: {  	[tilespmem:s0+$0xFFFFFFF0] =	vst v1  }
0x228: {  	[tilespmem:s0+$0x0] =	vst v2  }
0x229: {  	_ =	swait.ge [sflag:s20], $0x2000  }
0x22a: {  	[sflag:s20] =	ssyncset.done $0x0  }
0x22b: {  	[sflag:s20] =	ssyncadd.s32 $0xFFFFE000  }
0x22c: {  	v3 =	vld [tilespmem:$0x60C0]  }
0x22d: {  	v4 =	vld [tilespmem:$0x60D0]  }
0x22e: {  	v2 =	vld [tilespmem:$0x60E0]  }
0x22f: {  	s1 =	simm.s32 $0xC180;
	v1 =	vld [tilespmem:$0x60F0]  }
0x230: {  	v5 =	vld [tilespmem:s1+$0x40]  }
0x231: {  	v6 =	vld [tilespmem:s1+$0x50]  }
0x232: {  	v7 =	vld [tilespmem:s1+$0xFFFFFF90]  }
0x233: {  	v8 =	vld [tilespmem:s1+$0x60]  }
0x234: {  	v9 =	vld [tilespmem:s1+$0xFFFFFFC0]  }
0x235: {  	v10 =	vld [tilespmem:s1+$0x70]  }
0x236: {  	v13 =	vld [tilespmem:s1+$0x10]  }
0x237: {  	v11 =	vld [tilespmem:s1+$0xFFFFFFD0]  }
0x238: {  	v12 =	vld [tilespmem:s1+$0x0];
	v5 =	vsub.f32 v5, v3;
	v6 =	vsub.f32 v6, v4  }
0x239: {  	v16 =	vld [tilespmem:s1+$0xFFFFFFA0];
	v8 =	vsub.f32 v8, v2  }
0x23a: {  	v14 =	vsub.f32 v7, v4;
	v5 =	vand.u32 $0x7FFFFFFF, v5;
	v6 =	vand.u32 $0x7FFFFFFF, v6  }
0x23b: {  	v15 =	vld [tilespmem:s1+$0xFFFFFF80];
	v17 =	vsub.f32 v13, v4;
	v5 =	vadd.f32 v6, v5  }
0x23c: {  	v7 =	vand.u32 $0x7FFFFFFF, v8;
	v8 =	vsub.f32 v10, v1;
	v10 =	vsub.f32 v11, v4  }
0x23d: {  	v6 =	vsub.f32 v9, v3;
	v9 =	vld [tilespmem:s1+$0xFFFFFFE0];
	v5 =	vadd.f32 v7, v5  }
0x23e: {  	v13 =	vsub.f32 v16, v2;
	v11 =	vsub.f32 v12, v3;
	v12 =	vand.u32 $0x7FFFFFFF, v8;
	v7 =	vld [tilespmem:s1+$0x20]  }
0x23f: {  	v8 =	vld [tilespmem:s1+$0xFFFFFFB0];
	v10 =	vand.u32 $0x7FFFFFFF, v10;
	v6 =	vand.u32 $0x7FFFFFFF, v6;
	v18 =	vadd.f32 v12, v5  }
0x240: {  	s0 =	simm.s32 $0xE120;
	v6 =	vadd.f32 v10, v6;
	v10 =	vld [tilespmem:s1+$0xFFFFFFF0];
	v12 =	vsub.f32 v15, v3  }
0x241: {  	s25 =	simm.s32 $0x0;
	s24 =	simm.s32 $0x12890;
	s26 =	simm.s32 $0xC280;
	v5 =	vand.u32 $0x7FFFFFFF, v14;
	v14 =	vand.u32 $0x7FFFFFFF, v11;
	v15 =	vand.u32 $0x7FFFFFFF, v17;
	v11 =	vld [tilespmem:s1+$0x30];
	[tilespmem:s0+$0x10] =	vst v18  }
.LBB2_18:
0x242: {  	v16 =	vld [tilespmem:s26+$0x40];
	v12 =	vand.u32 $0x7FFFFFFF, v12;
	v9 =	vsub.f32 v9, v2;
	v14 =	vadd.f32 v15, v14  }
0x243: {  	s25 =	sadd.s32 $0x4, s25;
	v15 =	vld [tilespmem:s26+$0x50];
	v5 =	vadd.f32 v5, v12;
	v12 =	vand.u32 $0x7FFFFFFF, v13;
	v7 =	vsub.f32 v7, v2  }
0x244: {  	p0 =	slt.u32 s25, $0x7C;
	v13 =	vld [tilespmem:s26+$0xFFFFFF90];
	v8 =	vsub.f32 v8, v1;
	v9 =	vand.u32 $0x7FFFFFFF, v9  }
0x245: {  	v17 =	vld [tilespmem:s26+$0x60];
	v5 =	vadd.f32 v12, v5;
	v10 =	vsub.f32 v10, v1;
	v7 =	vand.u32 $0x7FFFFFFF, v7  }
0x246: {  	v6 =	vadd.f32 v9, v6;
	v12 =	vld [tilespmem:s26+$0xFFFFFFC0];
	v8 =	vand.u32 $0x7FFFFFFF, v8;
	v9 =	vsub.f32 v11, v1  }
0x247: {  	v7 =	vadd.f32 v7, v14;
	v11 =	vld [tilespmem:s26+$0x70];
	v5 =	vadd.f32 v8, v5;
	v8 =	vand.u32 $0x7FFFFFFF, v10  }
0x248: {  	v14 =	vsub.f32 v16, v3;
	v10 =	vld [tilespmem:s26+$0xFFFFFFD0];
	v15 =	vsub.f32 v15, v4;
	v9 =	vand.u32 $0x7FFFFFFF, v9  }
0x249: {  	v6 =	vadd.f32 v8, v6;
	v13 =	vsub.f32 v13, v4;
	v16 =	vld [tilespmem:s26+$0x0];
	[tilespmem:s0+$0xFFFFFFE0] =	vst v5  }
0x24a: {  	v8 =	vand.u32 $0x7FFFFFFF, v14;
	v18 =	vld [tilespmem:s26+$0x10];
	v14 =	vand.u32 $0x7FFFFFFF, v15;
	v15 =	vsub.f32 v17, v2  }
0x24b: {  	v17 =	vld [tilespmem:s26+$0xFFFFFF80];
	v5 =	vand.u32 $0x7FFFFFFF, v13;
	v12 =	vsub.f32 v12, v3;
	v8 =	vadd.f32 v14, v8;
	[tilespmem:s0+$0xFFFFFFF0] =	vst v6  }
0x24c: {  	v14 =	vadd.f32 v9, v7;
	v13 =	vld [tilespmem:s26+$0xFFFFFFA0];
	v6 =	vand.u32 $0x7FFFFFFF, v15;
	v11 =	vsub.f32 v11, v1  }
.Ltmp8:
0x24d: {  	v15 =	vand.u32 $0x7FFFFFFF, v12;
	v10 =	vsub.f32 v10, v4;
	v9 =	vld [tilespmem:s26+$0xFFFFFFE0];
	v6 =	vadd.f32 v6, v8;
	(pc) =	sbr.rel @p0 .LBB2_18-.Ltmp8, $4  }
0x24e: {  	v16 =	vsub.f32 v16, v3;
	v7 =	vld [tilespmem:s26+$0x20];
	v11 =	vand.u32 $0x7FFFFFFF, v11;
	[tilespmem:s0+$0x0] =	vst v14  }
0x24f: {  	v8 =	vld [tilespmem:s26+$0xFFFFFFB0];
	v10 =	vand.u32 $0x7FFFFFFF, v10;
	v18 =	vsub.f32 v18, v4;
	v19 =	vadd.f32 v11, v6  }
0x250: {  	s0 =	sadd.s32 $0x40, s0;
	v12 =	vsub.f32 v17, v3;
	v6 =	vadd.f32 v10, v15;
	v10 =	vld [tilespmem:s26+$0xFFFFFFF0];
	v14 =	vand.u32 $0x7FFFFFFF, v16  }
0x251: {  	s28 =	simm.s32 $0x10;
	v13 =	vsub.f32 v13, v2;
	v15 =	vand.u32 $0x7FFFFFFF, v18;
	v11 =	vld [tilespmem:s26+$0x30];
	[tilespmem:s0+$0x10] =	vst v19;
	s26 =	sadd.s32 $0x100, s26  }
0x252: {  	v3 =	vand.u32 $0x7FFFFFFF, v12;
	v4 =	vsub.f32 v9, v2;
	v9 =	vadd.f32 v15, v14  }
0x253: {  	v3 =	vadd.f32 v5, v3;
	v2 =	vsub.f32 v7, v2  }
0x254: {  	v5 =	vand.u32 $0x7FFFFFFF, v13;
	v7 =	vsub.f32 v8, v1;
	v4 =	vand.u32 $0x7FFFFFFF, v4  }
0x255: {  	v3 =	vadd.f32 v5, v3;
	v5 =	vsub.f32 v10, v1;
	v2 =	vand.u32 $0x7FFFFFFF, v2  }
0x256: {  	v4 =	vadd.f32 v4, v6;
	v6 =	vmov s28;
	v7 =	vand.u32 $0x7FFFFFFF, v7  }
0x257: {  	v1 =	vsub.f32 v11, v1;
	v6 =	vshll.u32 v6, $0x4;
	v2 =	vadd.f32 v2, v9  }
0x258: {  	v3 =	vadd.f32 v7, v3;
	v5 =	vand.u32 $0x7FFFFFFF, v5;
	v6 =	vor.u32 v0, v6  }
0x259: {  	v1 =	vand.u32 $0x7FFFFFFF, v1;
	v4 =	vadd.f32 v5, v4;
	v10 =	vor.u32 $0x3, v6  }
0x25a: {  	s1 =	simm.s32 $0x0;
	v12 =	vor.u32 $0x4, v6;
	[tilespmem:s0+$0xFFFFFFE0] =	vst v3;
	v1 =	vadd.f32 v1, v2  }
0x25b: {  	v7 =	vmov s1;
	v14 =	vor.u32 $0x5, v6;
	[tilespmem:s0+$0xFFFFFFF0] =	vst v4  }
0x25c: {  	v7 =	vshll.u32 v7, $0x4;
	v16 =	vor.u32 $0x6, v6;
	[tilespmem:s0+$0x0] =	vst v1  }
0x25d: {  	v18 =	vor.u32 $0x7, v6;
	v5 =	vor.u32 v0, v7;
	v7 =	vld.idx.msk [tilespmem:v6+s19+$0x0], $0xffff  }
0x25e: {  	v20 =	vor.u32 $0x8, v6;
	v10 =	vld.idx.msk [tilespmem:v10+s19+$0x0], $0xffff  }
0x25f: {  	v22 =	vor.u32 $0x9, v6;
	v12 =	vld.idx.msk [tilespmem:v12+s19+$0x0], $0xffff  }
0x260: {  	v24 =	vor.u32 $0xA, v6;
	v14 =	vld.idx.msk [tilespmem:v14+s19+$0x0], $0xffff  }
0x261: {  	v26 =	vor.u32 $0xB, v6;
	v16 =	vld.idx.msk [tilespmem:v16+s19+$0x0], $0xffff  }
0x262: {  	v28 =	vor.u32 $0xC, v6;
	v18 =	vld.idx.msk [tilespmem:v18+s19+$0x0], $0xffff  }
0x263: {  	v20 =	vld.idx.msk [tilespmem:v20+s19+$0x0], $0xffff  }
0x264: {  	v3 =	vor.u32 $0x1, v6;
	v22 =	vld.idx.msk [tilespmem:v22+s19+$0x0], $0xffff  }
0x265: {  	v2 =	vor.u32 $0x1, v5;
	v24 =	vld.idx.msk [tilespmem:v24+s19+$0x0], $0xffff  }
0x266: {  	v4 =	vor.u32 $0x2, v6;
	v43 =	vld.idx.msk [tilespmem:v26+s19+$0x0], $0xffff  }
0x267: {  	v9 =	vor.u32 $0x3, v5;
	v45 =	vld.idx.msk [tilespmem:v28+s19+$0x0], $0xffff  }
0x268: {  	v11 =	vor.u32 $0x4, v5;
	v8 =	vld.idx.msk [tilespmem:v5+s19+$0x0], $0xffff  }
0x269: {  	v13 =	vor.u32 $0x5, v5;
	v3 =	vld.idx.msk [tilespmem:v3+s19+$0x0], $0xffff  }
0x26a: {  	v1 =	vor.u32 $0x2, v5;
	v2 =	vld.idx.msk [tilespmem:v2+s19+$0x0], $0xffff  }
0x26b: {  	v15 =	vor.u32 $0x6, v5;
	v4 =	vld.idx.msk [tilespmem:v4+s19+$0x0], $0xffff  }
0x26c: {  	v17 =	vor.u32 $0x7, v5;
	v9 =	vld.idx.msk [tilespmem:v9+s19+$0x0], $0xffff  }
0x26d: {  	v19 =	vor.u32 $0x8, v5;
	v11 =	vld.idx.msk [tilespmem:v11+s19+$0x0], $0xffff  }
0x26e: {  	v21 =	vor.u32 $0x9, v5;
	v13 =	vld.idx.msk [tilespmem:v13+s19+$0x0], $0xffff  }
0x26f: {  	v23 =	vor.u32 $0xA, v5;
	v1 =	vld.idx.msk [tilespmem:v1+s19+$0x0], $0xffff  }
0x270: {  	v29 =	vor.u32 $0xD, v5;
	v15 =	vld.idx.msk [tilespmem:v15+s19+$0x0], $0xffff  }
0x271: {  	v30 =	vor.u32 $0xD, v6;
	v44 =	vor.u32 $0xE, v6;
	v6 =	vor.u32 $0xF, v6;
	v17 =	vld.idx.msk [tilespmem:v17+s19+$0x0], $0xffff  }
0x272: {  	v25 =	vor.u32 $0xB, v5;
	v19 =	vld.idx.msk [tilespmem:v19+s19+$0x0], $0xffff;
	v2 =	vadd.f32 v2, v8  }
0x273: {  	v27 =	vor.u32 $0xC, v5;
	v21 =	vld.idx.msk [tilespmem:v21+s19+$0x0], $0xffff;
	v3 =	vadd.f32 v3, v7  }
0x274: {  	v23 =	vld.idx.msk [tilespmem:v23+s19+$0x0], $0xffff;
	v1 =	vadd.f32 v1, v2  }
0x275: {  	s30 =	simm.s32 $0x30;
	v46 =	vld.idx.msk [tilespmem:v29+s19+$0x0], $0xffff;
	v7 =	vor.u32 $0xE, v5;
	v3 =	vadd.f32 v4, v3  }
0x276: {  	v6 =	vld.idx.msk [tilespmem:v6+s19+$0x0], $0xffff;
	v5 =	vor.u32 $0xF, v5;
	v4 =	vmov s30;
	v9 =	vadd.f32 v9, v1  }
0x277: {  	s31 =	simm.s32 $0x20;
	v8 =	vld.idx.msk [tilespmem:v25+s19+$0x0], $0xffff;
	v4 =	vshll.u32 v4, $0x4;
	v3 =	vadd.f32 v10, v3  }
0x278: {  	v2 =	vld.idx.msk [tilespmem:v27+s19+$0x0], $0xffff;
	v47 =	vor.u32 v0, v4;
	v1 =	vmov s31;
	v9 =	vadd.f32 v11, v9  }
0x279: {  	v4 =	vld.idx.msk [tilespmem:v30+s19+$0x0], $0xffff;
	v49 =	vor.u32 $0x3, v47;
	v1 =	vshll.u32 v1, $0x4;
	v3 =	vadd.f32 v12, v3  }
0x27a: {  	v7 =	vld.idx.msk [tilespmem:v7+s19+$0x0], $0xffff;
	v1 =	vor.u32 v0, v1;
	v9 =	vadd.f32 v13, v9  }
0x27b: {  	v5 =	vld.idx.msk [tilespmem:v5+s19+$0x0], $0xffff;
	v10 =	vor.u32 $0x1, v1;
	v3 =	vadd.f32 v14, v3  }
0x27c: {  	v12 =	vor.u32 $0x1, v47;
	v11 =	vld.idx.msk [tilespmem:v44+s19+$0x0], $0xffff;
	v9 =	vadd.f32 v15, v9  }
0x27d: {  	v13 =	vor.u32 $0x2, v1;
	v48 =	vld.idx.msk [tilespmem:v47+s19+$0x0], $0xffff;
	v3 =	vadd.f32 v16, v3  }
0x27e: {  	v14 =	vor.u32 $0x2, v47;
	v54 =	vld.idx.msk [tilespmem:v49+s19+$0x0], $0xffff;
	v9 =	vadd.f32 v17, v9  }
0x27f: {  	v16 =	vor.u32 $0x3, v1;
	v15 =	vld.idx.msk [tilespmem:v1+s19+$0x0], $0xffff;
	v3 =	vadd.f32 v18, v3  }
0x280: {  	v52 =	vor.u32 $0x5, v47;
	v10 =	vld.idx.msk [tilespmem:v10+s19+$0x0], $0xffff;
	v9 =	vadd.f32 v19, v9  }
0x281: {  	v12 =	vld.idx.msk [tilespmem:v12+s19+$0x0], $0xffff;
	v17 =	vor.u32 $0x4, v1;
	v3 =	vadd.f32 v20, v3  }
0x282: {  	v50 =	vor.u32 $0x4, v47;
	v13 =	vld.idx.msk [tilespmem:v13+s19+$0x0], $0xffff;
	v9 =	vadd.f32 v21, v9  }
0x283: {  	v51 =	vor.u32 $0x5, v1;
	v14 =	vld.idx.msk [tilespmem:v14+s19+$0x0], $0xffff;
	v3 =	vadd.f32 v22, v3  }
0x284: {  	v58 =	vor.u32 $0x8, v47;
	v16 =	vld.idx.msk [tilespmem:v16+s19+$0x0], $0xffff;
	v9 =	vadd.f32 v23, v9  }
0x285: {  	v53 =	vor.u32 $0x6, v1;
	v57 =	vld.idx.msk [tilespmem:v52+s19+$0x0], $0xffff;
	v10 =	vadd.f32 v10, v15;
	v3 =	vadd.f32 v24, v3  }
0x286: {  	v55 =	vor.u32 $0x6, v47;
	v12 =	vadd.f32 v12, v48;
	v15 =	vld.idx.msk [tilespmem:v17+s19+$0x0], $0xffff;
	v8 =	vadd.f32 v8, v9  }
0x287: {  	v18 =	vld.idx.msk [tilespmem:v50+s19+$0x0], $0xffff;
	v17 =	vor.u32 $0x7, v1;
	v10 =	vadd.f32 v13, v10;
	v3 =	vadd.f32 v43, v3  }
0x288: {  	v56 =	vor.u32 $0x7, v47;
	v12 =	vadd.f32 v14, v12;
	v13 =	vld.idx.msk [tilespmem:v51+s19+$0x0], $0xffff;
	v2 =	vadd.f32 v2, v8  }
0x289: {  	v61 =	vld.idx.msk [tilespmem:v58+s19+$0x0], $0xffff;
	v9 =	vor.u32 $0x8, v1;
	v10 =	vadd.f32 v16, v10;
	v3 =	vadd.f32 v45, v3  }
0x28a: {  	v14 =	vld.idx.msk [tilespmem:v53+s19+$0x0], $0xffff;
	v12 =	vadd.f32 v54, v12;
	v8 =	vor.u32 $0x9, v1;
	v2 =	vadd.f32 v46, v2  }
0x28b: {  	v59 =	vor.u32 $0x9, v47;
	v16 =	vld.idx.msk [tilespmem:v55+s19+$0x0], $0xffff;
	v10 =	vadd.f32 v15, v10;
	v3 =	vadd.f32 v4, v3  }
0x28c: {  	v60 =	vor.u32 $0xA, v47;
	v12 =	vadd.f32 v18, v12;
	v15 =	vld.idx.msk [tilespmem:v17+s19+$0x0], $0xffff;
	v2 =	vadd.f32 v7, v2  }
0x28d: {  	v4 =	vor.u32 $0xA, v1;
	v17 =	vld.idx.msk [tilespmem:v56+s19+$0x0], $0xffff;
	v10 =	vadd.f32 v13, v10;
	v3 =	vadd.f32 v11, v3  }
0x28e: {  	v62 =	vor.u32 $0xB, v47;
	v9 =	vld.idx.msk [tilespmem:v9+s19+$0x0], $0xffff;
	v7 =	vadd.f32 v57, v12;
	v2 =	vadd.f32 v5, v2  }
0x28f: {  	v11 =	vor.u32 $0xB, v1;
	v12 =	vadd.f32 v14, v10;
	v14 =	vld.idx.msk [tilespmem:v8+s19+$0x0], $0xffff;
	v3 =	vadd.f32 v6, v3  }
0x290: {  	v63 =	vor.u32 $0xC, v1;
	v10 =	vld.idx.msk [tilespmem:v59+s19+$0x0], $0xffff;
	v6 =	vadd.f32 v16, v7;
	v13 =	vsub.f32 $1.200000000e+01, v2  }
0x291: {  	v8 =	vld.idx.msk [tilespmem:v60+s19+$0x0], $0xffff;
	v5 =	vor.u32 $0xC, v47;
	v12 =	vadd.f32 v15, v12  }
0x292: {  	v7 =	vld.idx.msk [tilespmem:v4+s19+$0x0], $0xffff;
	v15 =	vsub.f32 $1.200000000e+01, v3;
	v16 =	vadd.f32 v17, v6;
	[tilespmem:s24+$0xFFFFFFF0] =	vst v13;
	v13 =	vor.u32 $0xD, v1  }
0x293: {  	v4 =	vor.u32 $0xD, v47;
	v6 =	vld.idx.msk [tilespmem:v62+s19+$0x0], $0xffff;
	v17 =	vadd.f32 v9, v12  }
0x294: {  	v9 =	vld.idx.msk [tilespmem:v11+s19+$0x0], $0xffff;
	[tilespmem:s24+$0x0] =	vst v15;
	v12 =	vor.u32 $0xE, v1;
	v15 =	vadd.f32 v61, v16  }
0x295: {  	s25 =	simm.s32 $0x2;
	s0 =	simm.s32 $0x50;
	v3 =	vor.u32 $0xE, v47;
	v2 =	vor.u32 $0xF, v47;
	v11 =	vld.idx.msk [tilespmem:v63+s19+$0x0], $0xffff;
	v14 =	vadd.f32 v14, v17  }
.LBB2_20:
0x296: {  	s1 =	sadd.s32 $0xFFFFFFF0, s0;
	v16 =	vmov s0;
	s25 =	sadd.s32 $0x2, s25;
	v17 =	vor.u32 $0xF, v1;
	v1 =	vadd.f32 v10, v15;
	v10 =	vld.idx.msk [tilespmem:v5+s19+$0x0], $0xffff  }
0x297: {  	v5 =	vmov s1;
	v15 =	vshll.u32 v16, $0x4;
	p0 =	slt.u32 s25, $0x6;
	v7 =	vadd.f32 v7, v14;
	v13 =	vld.idx.msk [tilespmem:v13+s19+$0x0], $0xffff  }
0x298: {  	v5 =	vshll.u32 v5, $0x4;
	v14 =	vor.u32 v0, v15;
	v8 =	vadd.f32 v8, v1;
	v15 =	vld.idx.msk [tilespmem:v4+s19+$0x0], $0xffff  }
0x299: {  	v1 =	vor.u32 v0, v5;
	v16 =	vor.u32 $0x1, v14;
	v4 =	vadd.f32 v9, v7;
	v7 =	vld.idx.msk [tilespmem:v12+s19+$0x0], $0xffff  }
0x29a: {  	v9 =	vor.u32 $0x2, v14;
	v12 =	vor.u32 $0x3, v14;
	v5 =	vor.u32 $0x1, v1;
	v18 =	vld.idx.msk [tilespmem:v3+s19+$0x0], $0xffff  }
0x29b: {  	v19 =	vor.u32 $0x4, v14;
	v20 =	vor.u32 $0x5, v14;
	v3 =	vadd.f32 v11, v4;
	v11 =	vld.idx.msk [tilespmem:v17+s19+$0x0], $0xffff  }
0x29c: {  	v21 =	vor.u32 $0x6, v14;
	v22 =	vor.u32 $0x7, v14;
	v17 =	vor.u32 $0x2, v1;
	v23 =	vld.idx.msk [tilespmem:v2+s19+$0x0], $0xffff  }
0x29d: {  	v25 =	vor.u32 $0x8, v14;
	v26 =	vor.u32 $0x9, v14;
	v24 =	vld.idx.msk [tilespmem:v14+s19+$0x0], $0xffff;
	v2 =	vadd.f32 v13, v3  }
0x29e: {  	v28 =	vor.u32 $0xA, v14;
	v29 =	vor.u32 $0xB, v14;
	v27 =	vor.u32 $0x3, v1;
	v13 =	vld.idx.msk [tilespmem:v1+s19+$0x0], $0xffff  }
0x29f: {  	v4 =	vor.u32 $0xD, v14;
	v30 =	vld.idx.msk [tilespmem:v5+s19+$0x0], $0xffff;
	v5 =	vor.u32 $0xC, v14;
	v7 =	vadd.f32 v7, v2  }
0x2a0: {  	v31 =	vor.u32 $0x4, v1;
	v6 =	vadd.f32 v6, v8;
	v3 =	vor.u32 $0xE, v14;
	v16 =	vld.idx.msk [tilespmem:v16+s19+$0x0], $0xffff  }
0x2a1: {  	v2 =	vor.u32 $0xF, v14;
	v8 =	vld.idx.msk [tilespmem:v17+s19+$0x0], $0xffff;
	v7 =	vadd.f32 v11, v7  }
0x2a2: {  	v6 =	vadd.f32 v10, v6;
	v11 =	vor.u32 $0x5, v1;
	v9 =	vld.idx.msk [tilespmem:v9+s19+$0x0], $0xffff  }
0x2a3: {  	v10 =	vld.idx.msk [tilespmem:v27+s19+$0x0], $0xffff;
	v7 =	vsub.f32 $1.200000000e+01, v7  }
0x2a4: {  	s24 =	sadd.s32 $0x20, s24;
	v6 =	vadd.f32 v15, v6;
	v14 =	vor.u32 $0x6, v1;
	v12 =	vld.idx.msk [tilespmem:v12+s19+$0x0], $0xffff  }
0x2a5: {  	v13 =	vadd.f32 v30, v13;
	v15 =	vld.idx.msk [tilespmem:v31+s19+$0x0], $0xffff;
	[tilespmem:s24+$0xFFFFFFF0] =	vst v7  }
0x2a6: {  	v6 =	vadd.f32 v18, v6;
	v7 =	vor.u32 $0x7, v1;
	v16 =	vadd.f32 v16, v24;
	v17 =	vld.idx.msk [tilespmem:v19+s19+$0x0], $0xffff  }
0x2a7: {  	v8 =	vadd.f32 v8, v13;
	v11 =	vld.idx.msk [tilespmem:v11+s19+$0x0], $0xffff  }
0x2a8: {  	v6 =	vadd.f32 v23, v6;
	v13 =	vor.u32 $0x8, v1;
	v9 =	vadd.f32 v9, v16;
	v16 =	vld.idx.msk [tilespmem:v20+s19+$0x0], $0xffff  }
0x2a9: {  	v8 =	vadd.f32 v10, v8;
	v10 =	vld.idx.msk [tilespmem:v14+s19+$0x0], $0xffff  }
0x2aa: {  	v6 =	vsub.f32 $1.200000000e+01, v6;
	v14 =	vor.u32 $0x9, v1;
	v9 =	vadd.f32 v12, v9;
	v12 =	vld.idx.msk [tilespmem:v21+s19+$0x0], $0xffff  }
0x2ab: {  	v8 =	vadd.f32 v15, v8;
	v7 =	vld.idx.msk [tilespmem:v7+s19+$0x0], $0xffff  }
0x2ac: {  	v15 =	vor.u32 $0xA, v1;
	v9 =	vadd.f32 v17, v9;
	v17 =	vld.idx.msk [tilespmem:v22+s19+$0x0], $0xffff;
	[tilespmem:s24+$0x0] =	vst v6  }
0x2ad: {  	v6 =	vadd.f32 v11, v8;
	v11 =	vld.idx.msk [tilespmem:v13+s19+$0x0], $0xffff  }
0x2ae: {  	v18 =	vor.u32 $0xB, v1;
	v8 =	vadd.f32 v16, v9;
	v16 =	vld.idx.msk [tilespmem:v25+s19+$0x0], $0xffff  }
0x2af: {  	v6 =	vadd.f32 v10, v6;
	v14 =	vld.idx.msk [tilespmem:v14+s19+$0x0], $0xffff  }
0x2b0: {  	v19 =	vor.u32 $0xC, v1;
	v8 =	vadd.f32 v12, v8;
	v10 =	vld.idx.msk [tilespmem:v26+s19+$0x0], $0xffff  }
.Ltmp9:
0x2b1: {  	v6 =	vadd.f32 v7, v6;
	v7 =	vld.idx.msk [tilespmem:v15+s19+$0x0], $0xffff;
	(pc) =	sbr.rel @p0 .LBB2_20-.Ltmp9, $4  }
0x2b2: {  	v13 =	vor.u32 $0xD, v1;
	v15 =	vadd.f32 v17, v8;
	v8 =	vld.idx.msk [tilespmem:v28+s19+$0x0], $0xffff  }
0x2b3: {  	v11 =	vadd.f32 v11, v6;
	v9 =	vld.idx.msk [tilespmem:v18+s19+$0x0], $0xffff  }
0x2b4: {  	v12 =	vor.u32 $0xE, v1;
	v15 =	vadd.f32 v16, v15;
	v6 =	vld.idx.msk [tilespmem:v29+s19+$0x0], $0xffff  }
0x2b5: {  	s0 =	sadd.s32 $0x20, s0;
	v14 =	vadd.f32 v14, v11;
	v11 =	vld.idx.msk [tilespmem:v19+s19+$0x0], $0xffff  }
0x2b6: {  	_ =	sdelay $0x2  }
0x2b7: {  	v10 =	vadd.f32 v10, v15  }
0x2b8: {  	v1 =	vor.u32 $0xF, v1;
	v5 =	vld.idx.msk [tilespmem:v5+s19+$0x0], $0xffff;
	v7 =	vadd.f32 v7, v14  }
0x2b9: {  	v13 =	vld.idx.msk [tilespmem:v13+s19+$0x0], $0xffff;
	v8 =	vadd.f32 v8, v10  }
0x2ba: {  	v4 =	vld.idx.msk [tilespmem:v4+s19+$0x0], $0xffff;
	v7 =	vadd.f32 v9, v7  }
0x2bb: {  	v61 =	vld.idx.msk [tilespmem:v12+s19+$0x0], $0xffff;
	v6 =	vadd.f32 v6, v8  }
0x2bc: {  	v3 =	vld.idx.msk [tilespmem:v3+s19+$0x0], $0xffff;
	v7 =	vadd.f32 v11, v7  }
0x2bd: {  	v1 =	vld.idx.msk [tilespmem:v1+s19+$0x0], $0xffff;
	v5 =	vadd.f32 v5, v6  }
0x2be: {  	v2 =	vld.idx.msk [tilespmem:v2+s19+$0x0], $0xffff;
	v62 =	vadd.f32 v13, v7  }
0x2bf: {  	v4 =	vadd.f32 v4, v5  }
0x2c0: {  	v63 =	vadd.f32 v61, v62  }
0x2c1: {  	v3 =	vadd.f32 v3, v4  }
0x2c2: {  	v1 =	vadd.f32 v1, v63  }
0x2c3: {  	v2 =	vadd.f32 v2, v3  }
0x2c4: {  	v1 =	vsub.f32 $1.200000000e+01, v1  }
0x2c5: {  	s0 =	sadd.s32 $0x20, s24;
	s23 =	sadd.s32 $0x1, s23;
	v2 =	vsub.f32 $1.200000000e+01, v2  }
0x2c6: {  	p0 =	sne.s32 s23, s9;
	[tilespmem:s0+$0xFFFFFFF0] =	vst v1  }
.Ltmp10:
0x2c7: {  	[tilespmem:s0+$0x0] =	vst v2;
	(pc) =	sbr.rel @p0 .LBB2_1-.Ltmp10, $4  }
0x2c8: {  	[hbm4b:s8+s2] =	stream.linear.scatter [tilespmem:s22], [sflag:$0x4], $0x4000, $0x38;
	[tilespmem:$0x12900] =	vst v63  }
0x2c9: {  	_ =	swait.ge [sflag:s10], $0x4000  }
0x2ca: {  	[sflag:s10] =	ssyncset.done $0x0  }
0x2cb: {  	[sflag:s10] =	ssyncadd.s32 $0xFFFFC000  }
0x2cc: {  	_ =	sfence.sel $0x180000  }
0x2cd: {  	[bflag:$0x0] =	sbarrier.arrive $0xFFFF  }
0x2ce: {  	_ =	strace $0x90000047  }
0x2cf: {  	s0 =	stileid.u32;
	[bflag:$0x2] =	sbarrier.arrive $0xFFFF  }
0x2d0: {  	p0 =	sne.s32 s0, $0x0;
	s0 =	rddreg [dreg:$0x5]  }
0x2d1: {  	s0 =	sadd.s32 @!p0 $0x100000, s0  }
0x2d2: {  	[sflag:s0] =	ssyncadd.tile.s32 @!p0 $0x1;
	_ =	shalt  }
.Lfunc_end2:
_tile_overlayer_lowered:
.L_overlay_start_2:
0x2d3: {  	(tag) =	ssettag $0x2  }
0x2d4: {  	s0 =	rddreg [dreg:$0x0];
	s2 =	stileid.u32  }
0x2d5: {  	s1 =	rddreg [dreg:$0x1];
	p0 =	sne.s32 s2, $0x0  }
0x2d6: {  	s3 =	rddreg [dreg:$0x2];
	[bflag:$0x3] =	sbarrier.arrive $0xFFFF;
	s2 =	simm.s32 @!p0 $0x1C04  }
0x2d7: {  	[timem:s3], [sflag:s2] =	dma.local @!p0 [hbm:s0], s1  }
0x2d8: {  	s0 =	simm.s32 @!p0 $0x4  }
0x2d9: {  	_ =	swait.ge @!p0 [sflag:s0], s1  }
0x2da: {  	s1 =	ssub.s32 @!p0 $0x0, s1;
	[sflag:s0] =	ssyncset.done @!p0 $0x0  }
0x2db: {  	[sflag:s0] =	ssyncadd.s32 @!p0 s1  }
0x2dc: {  	[bflag:$0x3] =	sbarrier.arrive $0xFFFF  }
0x2dd: {  	_ =	shalt  }

</sc_bundles>
